<compile_context>
chip_gen: v7x
topology: tpu7x:2x2x1
jax: 0.10.2.dev20260603
libtpu: 0.0.44.dev20260713+nightly
codegen_flags: <defaults>
</compile_context>

<pallas_src>
import jax
import jax.numpy as jnp
from jax import lax
from jax.experimental import pallas as pl
from jax.experimental.pallas import tpu as pltpu
from jax.experimental.pallas import tpu_sc as plsc

N = 1600000
NUM_GRAPHS = 4096
IN_DIM = 3
HID = 32


_BL = 16384


def _mlp_body(x_ref, w1t_ref, b1_ref, w2_ref, b2_ref, o_ref):
    x = x_ref[...]
    h2 = jnp.dot(w1t_ref[...], x, preferred_element_type=jnp.float32)
    h2 = h2 + b1_ref[...].reshape(HID, 1)
    s = h2 + h2 * jnp.tanh(h2)
    e = jnp.sum(s * w2_ref[...].reshape(HID, 1), axis=0)
    o_ref[...] = e + b2_ref[...]


def _node_energy(pos_t, W1T, b1, W2, b2):
    return pl.pallas_call(
        _mlp_body,
        grid=(pl.cdiv(N, _BL),),
        in_specs=[
            pl.BlockSpec((IN_DIM, _BL), lambda i: (0, i)),
            pl.BlockSpec((HID, IN_DIM), lambda i: (0, 0)),
            pl.BlockSpec((HID,), lambda i: (0,)),
            pl.BlockSpec((HID, 1), lambda i: (0, 0)),
            pl.BlockSpec((1,), lambda i: (0,)),
        ],
        out_specs=pl.BlockSpec((_BL,), lambda i: (i,)),
        out_shape=jax.ShapeDtypeStruct((N,), jnp.float32),
    )(pos_t, W1T, b1, W2, b2)



_NC = 2
_NS = 16
_NW = _NC * _NS
_ROWS_PER_TILE = N // _NW
_CHUNK = 10000
_NCHUNK = _ROWS_PER_TILE // _CHUNK
_STRIDE = _CHUNK // 16


def _seg_body(e_hbm, i_hbm, out_hbm, ev0, iv0, ev1, iv1, acc, sems):
    cid = lax.axis_index("c")
    sid = lax.axis_index("s")
    wid = cid * _NS + sid
    base = wid * _ROWS_PER_TILE
    evs, ivs = (ev0, ev1), (iv0, iv1)

    def _start(c, b):
        off = base + c * _CHUNK
        pltpu.async_copy(e_hbm.at[pl.ds(off, _CHUNK)], evs[b], sems.at[2 * b])
        pltpu.async_copy(i_hbm.at[pl.ds(off, _CHUNK)], ivs[b], sems.at[2 * b + 1])

    def _wait(b):
        pltpu.make_async_copy(
            e_hbm.at[pl.ds(0, _CHUNK)], evs[b], sems.at[2 * b]).wait()
        pltpu.make_async_copy(
            i_hbm.at[pl.ds(0, _CHUNK)], ivs[b], sems.at[2 * b + 1]).wait()

    _start(0, 0)
    if _NCHUNK > 1:
        _start(1, 1)

    def _zero(j, _):
        acc[pl.ds(j * 16, 16)] = jnp.zeros((16,), jnp.float32)
        return _

    lax.fori_loop(0, NUM_GRAPHS // 16, _zero, None, unroll=8)

    for c in range(_NCHUNK):
        b = c & 1
        _wait(b)
        ev, iv = evs[b], ivs[b]

        def _inner(j, _):
            g = iv[pl.ds(j * 16, 16)]
            vals = ev[pl.ds(j * 16, 16)]
            plsc.addupdate_scatter(acc, [g], vals)
            return _

        lax.fori_loop(0, _CHUNK // 16, _inner, None, unroll=8)
        if c + 2 < _NCHUNK:
            _start(c + 2, b)

    pltpu.sync_copy(acc, out_hbm.at[wid])


def _segment_sum(node_energy, batch32):
    mesh = plsc.VectorSubcoreMesh(core_axis_name="c", subcore_axis_name="s")
    seg = pl.kernel(
        _seg_body,
        out_type=jax.ShapeDtypeStruct((_NW, NUM_GRAPHS), jnp.float32),
        mesh=mesh,
        scratch_types=[
            pltpu.VMEM((_CHUNK,), jnp.float32),
            pltpu.VMEM((_CHUNK,), jnp.int32),
            pltpu.VMEM((_CHUNK,), jnp.float32),
            pltpu.VMEM((_CHUNK,), jnp.int32),
            pltpu.VMEM((NUM_GRAPHS,), jnp.float32),
            pltpu.SemaphoreType.DMA((4,)),
        ],
        compiler_params=pltpu.CompilerParams(needs_layout_passes=False),
    )
    return seg(node_energy, batch32)




def _comb_body(a_ref, o_ref):
    o_ref[...] = jnp.sum(a_ref[...], axis=0)


def _combine(parts):
    return pl.pallas_call(
        _comb_body,
        out_shape=jax.ShapeDtypeStruct((NUM_GRAPHS // 128, 128), jnp.float32),
    )(parts)


@jax.jit
def kernel(positions, batch, W1, b1, W2, b2):
    batch32 = batch.astype(jnp.int32)
    pos_t = positions.T
    node_energy = _node_energy(pos_t, W1.T * 0.5, b1 * 0.5, W2, b2)
    parts = _segment_sum(node_energy, batch32)
    parts3 = parts.reshape(_NW, NUM_GRAPHS // 128, 128)
    return _combine(parts3).reshape(NUM_GRAPHS)

# --- scband reference (transcript-rebuilt; emitter-appended) ---
"""Pipeline reference for scband-fallback-m3-gnet-72249939853981 (READ-ONLY COPY).

The authoritative reference and input builder live on the scoring server;
editing this copy changes nothing except your own understanding.
"""

import jax, jax.numpy as jnp
import numpy as np

N = 1600000
NUM_GRAPHS = 4096
IN_DIM = 3
HID = 32

def setup_inputs(seed: int = 0) -> dict:
    key = jax.random.key(seed)
    k1, k2, k3, k4, k5, k6 = jax.random.split(key, 6)
    positions = jax.random.normal(k1, (N, IN_DIM), dtype=jnp.float32)
    batch = jnp.sort(jax.random.randint(k2, (N,), 0, NUM_GRAPHS, dtype=jnp.int64))
    batch = batch.at[-1].set(NUM_GRAPHS - 1)
    # torch.nn.Linear default init: U(-1/sqrt(fan_in), 1/sqrt(fan_in))
    b1lim = 1.0 / np.sqrt(IN_DIM)
    b2lim = 1.0 / np.sqrt(HID)
    W1 = jax.random.uniform(k3, (IN_DIM, HID), minval=-b1lim, maxval=b1lim, dtype=jnp.float32)
    b1 = jax.random.uniform(k4, (HID,), minval=-b1lim, maxval=b1lim, dtype=jnp.float32)
    W2 = jax.random.uniform(k5, (HID, 1), minval=-b2lim, maxval=b2lim, dtype=jnp.float32)
    b2 = jax.random.uniform(k6, (1,), minval=-b2lim, maxval=b2lim, dtype=jnp.float32)
    return {"positions": positions, "batch": batch, "W1": W1, "b1": b1, "W2": W2, "b2": b2}

def reference(positions, batch, W1, b1, W2, b2):
    h = positions @ W1 + b1
    h = jax.nn.silu(h)
    node_energy = (h @ W2 + b2).squeeze(-1)
    num_graphs = NUM_GRAPHS
    energy = jax.ops.segment_sum(node_energy, batch, num_segments=num_graphs)
    return energy

if __name__ == "__main__":
    import jax
    _d = setup_inputs()
    print(jax.jit(kernel)(*tuple(_d.values())))

</pallas_src>

<mosaic_0001>
#map = affine_map<(d0, d1) -> (0)>
#map1 = affine_map<(d0, d1) -> (0, 0)>
module attributes {stable_mosaic.version = 14 : i64} {
  func.func @_seg_body(%arg0: i32, %arg1: i32, %arg2: memref<1600000xf32, #tpu.memory_space<hbm>>, %arg3: memref<1600000xi32, #tpu.memory_space<hbm>>, %arg4: memref<32x4096xf32, #tpu.memory_space<hbm>>, %arg5: memref<10000xf32, #tpu.memory_space<vmem>>, %arg6: memref<10000xi32, #tpu.memory_space<vmem>>, %arg7: memref<10000xf32, #tpu.memory_space<vmem>>, %arg8: memref<10000xi32, #tpu.memory_space<vmem>>, %arg9: memref<4096xf32, #tpu.memory_space<vmem>>, %arg10: memref<4x!tpu.dma_semaphore, #tpu.memory_space<semaphore_mem>>) attributes {dimension_semantics = [#tpu.dimension_semantics<core_parallel>, #tpu.dimension_semantics<subcore_parallel>], iteration_bounds = array<i64: 2, 16>, scalar_prefetch = 0 : i64, scratch_operands = 6 : i64, tpu.core_type = #tpu.core_type<sc_vector_subcore>, window_params = [{transform_indices = #map}, {transform_indices = #map}, {transform_indices = #map1}]} {
    %mul3A = arith.constant 16 : i32
    %mul3A_0 = arith.muli %arg0, %mul3A : i32
    %add3A = arith.addi %mul3A_0, %arg1 : i32
    %mul3A_1 = arith.constant 50000 : i32
    %mul3A_2 = arith.muli %add3A, %mul3A_1 : i32
    %add3A_3 = arith.constant 0 : i32
    %add3A_4 = arith.addi %mul3A_2, %add3A_3 : i32
    %dma_start3A = arith.constant 0 : i32
    %dma_start3A_5 = tpu.memref_slice %arg2[%add3A_4] : memref<1600000xf32, #tpu.memory_space<hbm>> -> memref<10000xf32, #tpu.memory_space<hbm>>
    %dma_start3A_6 = tpu.memref_slice %arg10[%dma_start3A] : memref<4x!tpu.dma_semaphore, #tpu.memory_space<semaphore_mem>> -> memref<1x!tpu.dma_semaphore, #tpu.memory_space<semaphore_mem>>
    %dma_start3A_7 = tpu.memref_squeeze %dma_start3A_6 : memref<1x!tpu.dma_semaphore, #tpu.memory_space<semaphore_mem>> -> memref<!tpu.dma_semaphore, #tpu.memory_space<semaphore_mem>>
    %dma_start3A_8 = tpu.memref_slice %arg2[%add3A_4] : memref<1600000xf32, #tpu.memory_space<hbm>> -> memref<10000xf32, #tpu.memory_space<hbm>>
    tpu.enqueue_dma source(%dma_start3A_8 : memref<10000xf32, #tpu.memory_space<hbm>>) target(%arg5 : memref<10000xf32, #tpu.memory_space<vmem>>) target_semaphore(%dma_start3A_7 : memref<!tpu.dma_semaphore, #tpu.memory_space<semaphore_mem>>)
    %dma_start3A_9 = arith.constant 1 : i32
    %dma_start3A_10 = tpu.memref_slice %arg3[%add3A_4] : memref<1600000xi32, #tpu.memory_space<hbm>> -> memref<10000xi32, #tpu.memory_space<hbm>>
    %dma_start3A_11 = tpu.memref_slice %arg10[%dma_start3A_9] : memref<4x!tpu.dma_semaphore, #tpu.memory_space<semaphore_mem>> -> memref<1x!tpu.dma_semaphore, #tpu.memory_space<semaphore_mem>>
    %dma_start3A_12 = tpu.memref_squeeze %dma_start3A_11 : memref<1x!tpu.dma_semaphore, #tpu.memory_space<semaphore_mem>> -> memref<!tpu.dma_semaphore, #tpu.memory_space<semaphore_mem>>
    %dma_start3A_13 = tpu.memref_slice %arg3[%add3A_4] : memref<1600000xi32, #tpu.memory_space<hbm>> -> memref<10000xi32, #tpu.memory_space<hbm>>
    tpu.enqueue_dma source(%dma_start3A_13 : memref<10000xi32, #tpu.memory_space<hbm>>) target(%arg6 : memref<10000xi32, #tpu.memory_space<vmem>>) target_semaphore(%dma_start3A_12 : memref<!tpu.dma_semaphore, #tpu.memory_space<semaphore_mem>>)
    %add3A_14 = arith.constant 10000 : i32
    %add3A_15 = arith.addi %mul3A_2, %add3A_14 : i32
    %dma_start3A_16 = arith.constant 2 : i32
    %dma_start3A_17 = tpu.memref_slice %arg2[%add3A_15] : memref<1600000xf32, #tpu.memory_space<hbm>> -> memref<10000xf32, #tpu.memory_space<hbm>>
    %dma_start3A_18 = tpu.memref_slice %arg10[%dma_start3A_16] : memref<4x!tpu.dma_semaphore, #tpu.memory_space<semaphore_mem>> -> memref<1x!tpu.dma_semaphore, #tpu.memory_space<semaphore_mem>>
    %dma_start3A_19 = tpu.memref_squeeze %dma_start3A_18 : memref<1x!tpu.dma_semaphore, #tpu.memory_space<semaphore_mem>> -> memref<!tpu.dma_semaphore, #tpu.memory_space<semaphore_mem>>
    %dma_start3A_20 = tpu.memref_slice %arg2[%add3A_15] : memref<1600000xf32, #tpu.memory_space<hbm>> -> memref<10000xf32, #tpu.memory_space<hbm>>
    tpu.enqueue_dma source(%dma_start3A_20 : memref<10000xf32, #tpu.memory_space<hbm>>) target(%arg7 : memref<10000xf32, #tpu.memory_space<vmem>>) target_semaphore(%dma_start3A_19 : memref<!tpu.dma_semaphore, #tpu.memory_space<semaphore_mem>>)
    %dma_start3A_21 = arith.constant 3 : i32
    %dma_start3A_22 = tpu.memref_slice %arg3[%add3A_15] : memref<1600000xi32, #tpu.memory_space<hbm>> -> memref<10000xi32, #tpu.memory_space<hbm>>
    %dma_start3A_23 = tpu.memref_slice %arg10[%dma_start3A_21] : memref<4x!tpu.dma_semaphore, #tpu.memory_space<semaphore_mem>> -> memref<1x!tpu.dma_semaphore, #tpu.memory_space<semaphore_mem>>
    %dma_start3A_24 = tpu.memref_squeeze %dma_start3A_23 : memref<1x!tpu.dma_semaphore, #tpu.memory_space<semaphore_mem>> -> memref<!tpu.dma_semaphore, #tpu.memory_space<semaphore_mem>>
    %dma_start3A_25 = tpu.memref_slice %arg3[%add3A_15] : memref<1600000xi32, #tpu.memory_space<hbm>> -> memref<10000xi32, #tpu.memory_space<hbm>>
    tpu.enqueue_dma source(%dma_start3A_25 : memref<10000xi32, #tpu.memory_space<hbm>>) target(%arg8 : memref<10000xi32, #tpu.memory_space<vmem>>) target_semaphore(%dma_start3A_24 : memref<!tpu.dma_semaphore, #tpu.memory_space<semaphore_mem>>)
    %scan3A = arith.constant 0 : i32
    %scan3A_26 = arith.constant 256 : i32
    %scan3A_27 = arith.addi %scan3A, %scan3A_26 : i32
    %scan3A_28 = arith.constant 8 : i32
    scf.for %scan3A_209 = %scan3A to %scan3A_27 step %scan3A_28  : i32 {
      %broadcast_in_dim3A = arith.constant 0.000000e+00 : f32
      %broadcast_in_dim3A_210 = vector.broadcast %broadcast_in_dim3A : f32 to vector<16xf32>
      %mul3A_211 = arith.constant 16 : i32
      %mul3A_212 = arith.muli %scan3A_209, %mul3A_211 : i32
      %swap3A = arith.index_cast %mul3A_212 : i32 to index
      %swap3A_213 = tpu.vector_load %arg9[%swap3A] {strides = array<i32>} : memref<4096xf32, #tpu.memory_space<vmem>>, vector<16xf32>,
      tpu.vector_store %arg9[%swap3A], %broadcast_in_dim3A_210 {strides = array<i32>} : memref<4096xf32, #tpu.memory_space<vmem>>, vector<16xf32>,
      %scan3A_214 = arith.constant 1 : i32
      %scan3A_215 = arith.addi %scan3A_209, %scan3A_214 : i32
      %broadcast_in_dim3A_216 = arith.constant 0.000000e+00 : f32
      %broadcast_in_dim3A_217 = vector.broadcast %broadcast_in_dim3A_216 : f32 to vector<16xf32>
      %mul3A_218 = arith.constant 16 : i32
      %mul3A_219 = arith.muli %scan3A_215, %mul3A_218 : i32
      %swap3A_220 = arith.index_cast %mul3A_219 : i32 to index
      %swap3A_221 = tpu.vector_load %arg9[%swap3A_220] {strides = array<i32>} : memref<4096xf32, #tpu.memory_space<vmem>>, vector<16xf32>,
      tpu.vector_store %arg9[%swap3A_220], %broadcast_in_dim3A_217 {strides = array<i32>} : memref<4096xf32, #tpu.memory_space<vmem>>, vector<16xf32>,
      %scan3A_222 = arith.constant 2 : i32
      %scan3A_223 = arith.addi %scan3A_209, %scan3A_222 : i32
      %broadcast_in_dim3A_224 = arith.constant 0.000000e+00 : f32
      %broadcast_in_dim3A_225 = vector.broadcast %broadcast_in_dim3A_224 : f32 to vector<16xf32>
      %mul3A_226 = arith.constant 16 : i32
      %mul3A_227 = arith.muli %scan3A_223, %mul3A_226 : i32
      %swap3A_228 = arith.index_cast %mul3A_227 : i32 to index
      %swap3A_229 = tpu.vector_load %arg9[%swap3A_228] {strides = array<i32>} : memref<4096xf32, #tpu.memory_space<vmem>>, vector<16xf32>,
      tpu.vector_store %arg9[%swap3A_228], %broadcast_in_dim3A_225 {strides = array<i32>} : memref<4096xf32, #tpu.memory_space<vmem>>, vector<16xf32>,
      %scan3A_230 = arith.constant 3 : i32
      %scan3A_231 = arith.addi %scan3A_209, %scan3A_230 : i32
      %broadcast_in_dim3A_232 = arith.constant 0.000000e+00 : f32
      %broadcast_in_dim3A_233 = vector.broadcast %broadcast_in_dim3A_232 : f32 to vector<16xf32>
      %mul3A_234 = arith.constant 16 : i32
      %mul3A_235 = arith.muli %scan3A_231, %mul3A_234 : i32
      %swap3A_236 = arith.index_cast %mul3A_235 : i32 to index
      %swap3A_237 = tpu.vector_load %arg9[%swap3A_236] {strides = array<i32>} : memref<4096xf32, #tpu.memory_space<vmem>>, vector<16xf32>,
      tpu.vector_store %arg9[%swap3A_236], %broadcast_in_dim3A_233 {strides = array<i32>} : memref<4096xf32, #tpu.memory_space<vmem>>, vector<16xf32>,
      %scan3A_238 = arith.constant 4 : i32
      %scan3A_239 = arith.addi %scan3A_209, %scan3A_238 : i32
      %broadcast_in_dim3A_240 = arith.constant 0.000000e+00 : f32
      %broadcast_in_dim3A_241 = vector.broadcast %broadcast_in_dim3A_240 : f32 to vector<16xf32>
      %mul3A_242 = arith.constant 16 : i32
      %mul3A_243 = arith.muli %scan3A_239, %mul3A_242 : i32
      %swap3A_244 = arith.index_cast %mul3A_243 : i32 to index
      %swap3A_245 = tpu.vector_load %arg9[%swap3A_244] {strides = array<i32>} : memref<4096xf32, #tpu.memory_space<vmem>>, vector<16xf32>,
      tpu.vector_store %arg9[%swap3A_244], %broadcast_in_dim3A_241 {strides = array<i32>} : memref<4096xf32, #tpu.memory_space<vmem>>, vector<16xf32>,
      %scan3A_246 = arith.constant 5 : i32
      %scan3A_247 = arith.addi %scan3A_209, %scan3A_246 : i32
      %broadcast_in_dim3A_248 = arith.constant 0.000000e+00 : f32
      %broadcast_in_dim3A_249 = vector.broadcast %broadcast_in_dim3A_248 : f32 to vector<16xf32>
      %mul3A_250 = arith.constant 16 : i32
      %mul3A_251 = arith.muli %scan3A_247, %mul3A_250 : i32
      %swap3A_252 = arith.index_cast %mul3A_251 : i32 to index
      %swap3A_253 = tpu.vector_load %arg9[%swap3A_252] {strides = array<i32>} : memref<4096xf32, #tpu.memory_space<vmem>>, vector<16xf32>,
      tpu.vector_store %arg9[%swap3A_252], %broadcast_in_dim3A_249 {strides = array<i32>} : memref<4096xf32, #tpu.memory_space<vmem>>, vector<16xf32>,
      %scan3A_254 = arith.constant 6 : i32
      %scan3A_255 = arith.addi %scan3A_209, %scan3A_254 : i32
      %broadcast_in_dim3A_256 = arith.constant 0.000000e+00 : f32
      %broadcast_in_dim3A_257 = vector.broadcast %broadcast_in_dim3A_256 : f32 to vector<16xf32>
      %mul3A_258 = arith.constant 16 : i32
      %mul3A_259 = arith.muli %scan3A_255, %mul3A_258 : i32
      %swap3A_260 = arith.index_cast %mul3A_259 : i32 to index
      %swap3A_261 = tpu.vector_load %arg9[%swap3A_260] {strides = array<i32>} : memref<4096xf32, #tpu.memory_space<vmem>>, vector<16xf32>,
      tpu.vector_store %arg9[%swap3A_260], %broadcast_in_dim3A_257 {strides = array<i32>} : memref<4096xf32, #tpu.memory_space<vmem>>, vector<16xf32>,
      %scan3A_262 = arith.constant 7 : i32
      %scan3A_263 = arith.addi %scan3A_209, %scan3A_262 : i32
      %broadcast_in_dim3A_264 = arith.constant 0.000000e+00 : f32
      %broadcast_in_dim3A_265 = vector.broadcast %broadcast_in_dim3A_264 : f32 to vector<16xf32>
      %mul3A_266 = arith.constant 16 : i32
      %mul3A_267 = arith.muli %scan3A_263, %mul3A_266 : i32
      %swap3A_268 = arith.index_cast %mul3A_267 : i32 to index
      %swap3A_269 = tpu.vector_load %arg9[%swap3A_268] {strides = array<i32>} : memref<4096xf32, #tpu.memory_space<vmem>>, vector<16xf32>,
      tpu.vector_store %arg9[%swap3A_268], %broadcast_in_dim3A_265 {strides = array<i32>} : memref<4096xf32, #tpu.memory_space<vmem>>, vector<16xf32>,
    }
    %scan3A_29 = arith.constant 256 : i32
    %dma_wait3A = arith.constant 0 : i32
    %dma_wait3A_30 = arith.constant 0 : i32
    %dma_wait3A_31 = tpu.memref_slice %arg2[%dma_wait3A_30] : memref<1600000xf32, #tpu.memory_space<hbm>> -> memref<10000xf32, #tpu.memory_space<hbm>>
    %dma_wait3A_32 = tpu.memref_slice %arg10[%dma_wait3A] : memref<4x!tpu.dma_semaphore, #tpu.memory_space<semaphore_mem>> -> memref<1x!tpu.dma_semaphore, #tpu.memory_space<semaphore_mem>>
    %dma_wait3A_33 = tpu.memref_squeeze %dma_wait3A_32 : memref<1x!tpu.dma_semaphore, #tpu.memory_space<semaphore_mem>> -> memref<!tpu.dma_semaphore, #tpu.memory_space<semaphore_mem>>
    %dma_wait3A_34 = arith.constant 0 : i32
    %dma_wait3A_35 = tpu.memref_slice %arg2[%dma_wait3A_34] : memref<1600000xf32, #tpu.memory_space<hbm>> -> memref<10000xf32, #tpu.memory_space<hbm>>
    tpu.wait_dma2 semaphore(%dma_wait3A_33 : memref<!tpu.dma_semaphore, #tpu.memory_space<semaphore_mem>>) src(%dma_wait3A_35 : memref<10000xf32, #tpu.memory_space<hbm>>) dst(%arg5 : memref<10000xf32, #tpu.memory_space<vmem>>)
    %dma_wait3A_36 = arith.constant 1 : i32
    %dma_wait3A_37 = arith.constant 0 : i32
    %dma_wait3A_38 = tpu.memref_slice %arg3[%dma_wait3A_37] : memref<1600000xi32, #tpu.memory_space<hbm>> -> memref<10000xi32, #tpu.memory_space<hbm>>
    %dma_wait3A_39 = tpu.memref_slice %arg10[%dma_wait3A_36] : memref<4x!tpu.dma_semaphore, #tpu.memory_space<semaphore_mem>> -> memref<1x!tpu.dma_semaphore, #tpu.memory_space<semaphore_mem>>
    %dma_wait3A_40 = tpu.memref_squeeze %dma_wait3A_39 : memref<1x!tpu.dma_semaphore, #tpu.memory_space<semaphore_mem>> -> memref<!tpu.dma_semaphore, #tpu.memory_space<semaphore_mem>>
    %dma_wait3A_41 = arith.constant 0 : i32
    %dma_wait3A_42 = tpu.memref_slice %arg3[%dma_wait3A_41] : memref<1600000xi32, #tpu.memory_space<hbm>> -> memref<10000xi32, #tpu.memory_space<hbm>>
    tpu.wait_dma2 semaphore(%dma_wait3A_40 : memref<!tpu.dma_semaphore, #tpu.memory_space<semaphore_mem>>) src(%dma_wait3A_42 : memref<10000xi32, #tpu.memory_space<hbm>>) dst(%arg6 : memref<10000xi32, #tpu.memory_space<vmem>>)
    %scan3A_43 = arith.constant 0 : i32
    %scan3A_44 = arith.constant 624 : i32
    %scan3A_45 = arith.addi %scan3A_43, %scan3A_44 : i32
    %scan3A_46 = arith.constant 8 : i32
    scf.for %scan3A_209 = %scan3A_43 to %scan3A_45 step %scan3A_46  : i32 {
      %mul3A_210 = arith.constant 16 : i32
      %mul3A_211 = arith.muli %scan3A_209, %mul3A_210 : i32
      %get3A_212 = arith.index_cast %mul3A_211 : i32 to index
      %get3A_213 = tpu.vector_load %arg6[%get3A_212] {strides = array<i32>} : memref<10000xi32, #tpu.memory_space<vmem>>, vector<16xi32>,
      %mul3A_214 = arith.constant 16 : i32
      %mul3A_215 = arith.muli %scan3A_209, %mul3A_214 : i32
      %get3A_216 = arith.index_cast %mul3A_215 : i32 to index
      %get3A_217 = tpu.vector_load %arg5[%get3A_216] {strides = array<i32>} : memref<10000xf32, #tpu.memory_space<vmem>>, vector<16xf32>,
      tpu.vector_store_idx %arg9[%get3A_213], %get3A_217 {add = true} : memref<4096xf32, #tpu.memory_space<vmem>>[vector<16xi32>], vector<16xf32>,
      %scan3A_218 = arith.constant 1 : i32
      %scan3A_219 = arith.addi %scan3A_209, %scan3A_218 : i32
      %mul3A_220 = arith.constant 16 : i32
      %mul3A_221 = arith.muli %scan3A_219, %mul3A_220 : i32
      %get3A_222 = arith.index_cast %mul3A_221 : i32 to index
      %get3A_223 = tpu.vector_load %arg6[%get3A_222] {strides = array<i32>} : memref<10000xi32, #tpu.memory_space<vmem>>, vector<16xi32>,
      %mul3A_224 = arith.constant 16 : i32
      %mul3A_225 = arith.muli %scan3A_219, %mul3A_224 : i32
      %get3A_226 = arith.index_cast %mul3A_225 : i32 to index
      %get3A_227 = tpu.vector_load %arg5[%get3A_226] {strides = array<i32>} : memref<10000xf32, #tpu.memory_space<vmem>>, vector<16xf32>,
      tpu.vector_store_idx %arg9[%get3A_223], %get3A_227 {add = true} : memref<4096xf32, #tpu.memory_space<vmem>>[vector<16xi32>], vector<16xf32>,
      %scan3A_228 = arith.constant 2 : i32
      %scan3A_229 = arith.addi %scan3A_209, %scan3A_228 : i32
      %mul3A_230 = arith.constant 16 : i32
      %mul3A_231 = arith.muli %scan3A_229, %mul3A_230 : i32
      %get3A_232 = arith.index_cast %mul3A_231 : i32 to index
      %get3A_233 = tpu.vector_load %arg6[%get3A_232] {strides = array<i32>} : memref<10000xi32, #tpu.memory_space<vmem>>, vector<16xi32>,
      %mul3A_234 = arith.constant 16 : i32
      %mul3A_235 = arith.muli %scan3A_229, %mul3A_234 : i32
      %get3A_236 = arith.index_cast %mul3A_235 : i32 to index
      %get3A_237 = tpu.vector_load %arg5[%get3A_236] {strides = array<i32>} : memref<10000xf32, #tpu.memory_space<vmem>>, vector<16xf32>,
      tpu.vector_store_idx %arg9[%get3A_233], %get3A_237 {add = true} : memref<4096xf32, #tpu.memory_space<vmem>>[vector<16xi32>], vector<16xf32>,
      %scan3A_238 = arith.constant 3 : i32
      %scan3A_239 = arith.addi %scan3A_209, %scan3A_238 : i32
      %mul3A_240 = arith.constant 16 : i32
      %mul3A_241 = arith.muli %scan3A_239, %mul3A_240 : i32
      %get3A_242 = arith.index_cast %mul3A_241 : i32 to index
      %get3A_243 = tpu.vector_load %arg6[%get3A_242] {strides = array<i32>} : memref<10000xi32, #tpu.memory_space<vmem>>, vector<16xi32>,
      %mul3A_244 = arith.constant 16 : i32
      %mul3A_245 = arith.muli %scan3A_239, %mul3A_244 : i32
      %get3A_246 = arith.index_cast %mul3A_245 : i32 to index
      %get3A_247 = tpu.vector_load %arg5[%get3A_246] {strides = array<i32>} : memref<10000xf32, #tpu.memory_space<vmem>>, vector<16xf32>,
      tpu.vector_store_idx %arg9[%get3A_243], %get3A_247 {add = true} : memref<4096xf32, #tpu.memory_space<vmem>>[vector<16xi32>], vector<16xf32>,
      %scan3A_248 = arith.constant 4 : i32
      %scan3A_249 = arith.addi %scan3A_209, %scan3A_248 : i32
      %mul3A_250 = arith.constant 16 : i32
      %mul3A_251 = arith.muli %scan3A_249, %mul3A_250 : i32
      %get3A_252 = arith.index_cast %mul3A_251 : i32 to index
      %get3A_253 = tpu.vector_load %arg6[%get3A_252] {strides = array<i32>} : memref<10000xi32, #tpu.memory_space<vmem>>, vector<16xi32>,
      %mul3A_254 = arith.constant 16 : i32
      %mul3A_255 = arith.muli %scan3A_249, %mul3A_254 : i32
      %get3A_256 = arith.index_cast %mul3A_255 : i32 to index
      %get3A_257 = tpu.vector_load %arg5[%get3A_256] {strides = array<i32>} : memref<10000xf32, #tpu.memory_space<vmem>>, vector<16xf32>,
      tpu.vector_store_idx %arg9[%get3A_253], %get3A_257 {add = true} : memref<4096xf32, #tpu.memory_space<vmem>>[vector<16xi32>], vector<16xf32>,
      %scan3A_258 = arith.constant 5 : i32
      %scan3A_259 = arith.addi %scan3A_209, %scan3A_258 : i32
      %mul3A_260 = arith.constant 16 : i32
      %mul3A_261 = arith.muli %scan3A_259, %mul3A_260 : i32
      %get3A_262 = arith.index_cast %mul3A_261 : i32 to index
      %get3A_263 = tpu.vector_load %arg6[%get3A_262] {strides = array<i32>} : memref<10000xi32, #tpu.memory_space<vmem>>, vector<16xi32>,
      %mul3A_264 = arith.constant 16 : i32
      %mul3A_265 = arith.muli %scan3A_259, %mul3A_264 : i32
      %get3A_266 = arith.index_cast %mul3A_265 : i32 to index
      %get3A_267 = tpu.vector_load %arg5[%get3A_266] {strides = array<i32>} : memref<10000xf32, #tpu.memory_space<vmem>>, vector<16xf32>,
      tpu.vector_store_idx %arg9[%get3A_263], %get3A_267 {add = true} : memref<4096xf32, #tpu.memory_space<vmem>>[vector<16xi32>], vector<16xf32>,
      %scan3A_268 = arith.constant 6 : i32
      %scan3A_269 = arith.addi %scan3A_209, %scan3A_268 : i32
      %mul3A_270 = arith.constant 16 : i32
      %mul3A_271 = arith.muli %scan3A_269, %mul3A_270 : i32
      %get3A_272 = arith.index_cast %mul3A_271 : i32 to index
      %get3A_273 = tpu.vector_load %arg6[%get3A_272] {strides = array<i32>} : memref<10000xi32, #tpu.memory_space<vmem>>, vector<16xi32>,
      %mul3A_274 = arith.constant 16 : i32
      %mul3A_275 = arith.muli %scan3A_269, %mul3A_274 : i32
      %get3A_276 = arith.index_cast %mul3A_275 : i32 to index
      %get3A_277 = tpu.vector_load %arg5[%get3A_276] {strides = array<i32>} : memref<10000xf32, #tpu.memory_space<vmem>>, vector<16xf32>,
      tpu.vector_store_idx %arg9[%get3A_273], %get3A_277 {add = true} : memref<4096xf32, #tpu.memory_space<vmem>>[vector<16xi32>], vector<16xf32>,
      %scan3A_278 = arith.constant 7 : i32
      %scan3A_279 = arith.addi %scan3A_209, %scan3A_278 : i32
      %mul3A_280 = arith.constant 16 : i32
      %mul3A_281 = arith.muli %scan3A_279, %mul3A_280 : i32
      %get3A_282 = arith.index_cast %mul3A_281 : i32 to index
      %get3A_283 = tpu.vector_load %arg6[%get3A_282] {strides = array<i32>} : memref<10000xi32, #tpu.memory_space<vmem>>, vector<16xi32>,
      %mul3A_284 = arith.constant 16 : i32
      %mul3A_285 = arith.muli %scan3A_279, %mul3A_284 : i32
      %get3A_286 = arith.index_cast %mul3A_285 : i32 to index
      %get3A_287 = tpu.vector_load %arg5[%get3A_286] {strides = array<i32>} : memref<10000xf32, #tpu.memory_space<vmem>>, vector<16xf32>,
      tpu.vector_store_idx %arg9[%get3A_283], %get3A_287 {add = true} : memref<4096xf32, #tpu.memory_space<vmem>>[vector<16xi32>], vector<16xf32>,
    }
    %scan3A_47 = arith.constant 624 : i32
    %scan3A_48 = arith.addi %scan3A_43, %scan3A_47 : i32
    %mul3A_49 = arith.constant 16 : i32
    %mul3A_50 = arith.muli %scan3A_48, %mul3A_49 : i32
    %get3A = arith.index_cast %mul3A_50 : i32 to index
    %get3A_51 = tpu.vector_load %arg6[%get3A] {strides = array<i32>} : memref<10000xi32, #tpu.memory_space<vmem>>, vector<16xi32>,
    %mul3A_52 = arith.constant 16 : i32
    %mul3A_53 = arith.muli %scan3A_48, %mul3A_52 : i32
    %get3A_54 = arith.index_cast %mul3A_53 : i32 to index
    %get3A_55 = tpu.vector_load %arg5[%get3A_54] {strides = array<i32>} : memref<10000xf32, #tpu.memory_space<vmem>>, vector<16xf32>,
    tpu.vector_store_idx %arg9[%get3A_51], %get3A_55 {add = true} : memref<4096xf32, #tpu.memory_space<vmem>>[vector<16xi32>], vector<16xf32>,
    %scan3A_56 = arith.constant 625 : i32
    %add3A_57 = arith.constant 20000 : i32
    %add3A_58 = arith.addi %mul3A_2, %add3A_57 : i32
    %dma_start3A_59 = arith.constant 0 : i32
    %dma_start3A_60 = tpu.memref_slice %arg2[%add3A_58] : memref<1600000xf32, #tpu.memory_space<hbm>> -> memref<10000xf32, #tpu.memory_space<hbm>>
    %dma_start3A_61 = tpu.memref_slice %arg10[%dma_start3A_59] : memref<4x!tpu.dma_semaphore, #tpu.memory_space<semaphore_mem>> -> memref<1x!tpu.dma_semaphore, #tpu.memory_space<semaphore_mem>>
    %dma_start3A_62 = tpu.memref_squeeze %dma_start3A_61 : memref<1x!tpu.dma_semaphore, #tpu.memory_space<semaphore_mem>> -> memref<!tpu.dma_semaphore, #tpu.memory_space<semaphore_mem>>
    %dma_start3A_63 = tpu.memref_slice %arg2[%add3A_58] : memref<1600000xf32, #tpu.memory_space<hbm>> -> memref<10000xf32, #tpu.memory_space<hbm>>
    tpu.enqueue_dma source(%dma_start3A_63 : memref<10000xf32, #tpu.memory_space<hbm>>) target(%arg5 : memref<10000xf32, #tpu.memory_space<vmem>>) target_semaphore(%dma_start3A_62 : memref<!tpu.dma_semaphore, #tpu.memory_space<semaphore_mem>>)
    %dma_start3A_64 = arith.constant 1 : i32
    %dma_start3A_65 = tpu.memref_slice %arg3[%add3A_58] : memref<1600000xi32, #tpu.memory_space<hbm>> -> memref<10000xi32, #tpu.memory_space<hbm>>
    %dma_start3A_66 = tpu.memref_slice %arg10[%dma_start3A_64] : memref<4x!tpu.dma_semaphore, #tpu.memory_space<semaphore_mem>> -> memref<1x!tpu.dma_semaphore, #tpu.memory_space<semaphore_mem>>
    %dma_start3A_67 = tpu.memref_squeeze %dma_start3A_66 : memref<1x!tpu.dma_semaphore, #tpu.memory_space<semaphore_mem>> -> memref<!tpu.dma_semaphore, #tpu.memory_space<semaphore_mem>>
    %dma_start3A_68 = tpu.memref_slice %arg3[%add3A_58] : memref<1600000xi32, #tpu.memory_space<hbm>> -> memref<10000xi32, #tpu.memory_space<hbm>>
    tpu.enqueue_dma source(%dma_start3A_68 : memref<10000xi32, #tpu.memory_space<hbm>>) target(%arg6 : memref<10000xi32, #tpu.memory_space<vmem>>) target_semaphore(%dma_start3A_67 : memref<!tpu.dma_semaphore, #tpu.memory_space<semaphore_mem>>)
    %dma_wait3A_69 = arith.constant 2 : i32
    %dma_wait3A_70 = arith.constant 0 : i32
    %dma_wait3A_71 = tpu.memref_slice %arg2[%dma_wait3A_70] : memref<1600000xf32, #tpu.memory_space<hbm>> -> memref<10000xf32, #tpu.memory_space<hbm>>
    %dma_wait3A_72 = tpu.memref_slice %arg10[%dma_wait3A_69] : memref<4x!tpu.dma_semaphore, #tpu.memory_space<semaphore_mem>> -> memref<1x!tpu.dma_semaphore, #tpu.memory_space<semaphore_mem>>
    %dma_wait3A_73 = tpu.memref_squeeze %dma_wait3A_72 : memref<1x!tpu.dma_semaphore, #tpu.memory_space<semaphore_mem>> -> memref<!tpu.dma_semaphore, #tpu.memory_space<semaphore_mem>>
    %dma_wait3A_74 = arith.constant 0 : i32
    %dma_wait3A_75 = tpu.memref_slice %arg2[%dma_wait3A_74] : memref<1600000xf32, #tpu.memory_space<hbm>> -> memref<10000xf32, #tpu.memory_space<hbm>>
    tpu.wait_dma2 semaphore(%dma_wait3A_73 : memref<!tpu.dma_semaphore, #tpu.memory_space<semaphore_mem>>) src(%dma_wait3A_75 : memref<10000xf32, #tpu.memory_space<hbm>>) dst(%arg7 : memref<10000xf32, #tpu.memory_space<vmem>>)
    %dma_wait3A_76 = arith.constant 3 : i32
    %dma_wait3A_77 = arith.constant 0 : i32
    %dma_wait3A_78 = tpu.memref_slice %arg3[%dma_wait3A_77] : memref<1600000xi32, #tpu.memory_space<hbm>> -> memref<10000xi32, #tpu.memory_space<hbm>>
    %dma_wait3A_79 = tpu.memref_slice %arg10[%dma_wait3A_76] : memref<4x!tpu.dma_semaphore, #tpu.memory_space<semaphore_mem>> -> memref<1x!tpu.dma_semaphore, #tpu.memory_space<semaphore_mem>>
    %dma_wait3A_80 = tpu.memref_squeeze %dma_wait3A_79 : memref<1x!tpu.dma_semaphore, #tpu.memory_space<semaphore_mem>> -> memref<!tpu.dma_semaphore, #tpu.memory_space<semaphore_mem>>
    %dma_wait3A_81 = arith.constant 0 : i32
    %dma_wait3A_82 = tpu.memref_slice %arg3[%dma_wait3A_81] : memref<1600000xi32, #tpu.memory_space<hbm>> -> memref<10000xi32, #tpu.memory_space<hbm>>
    tpu.wait_dma2 semaphore(%dma_wait3A_80 : memref<!tpu.dma_semaphore, #tpu.memory_space<semaphore_mem>>) src(%dma_wait3A_82 : memref<10000xi32, #tpu.memory_space<hbm>>) dst(%arg8 : memref<10000xi32, #tpu.memory_space<vmem>>)
    %scan3A_83 = arith.constant 0 : i32
    %scan3A_84 = arith.constant 624 : i32
    %scan3A_85 = arith.addi %scan3A_83, %scan3A_84 : i32
    %scan3A_86 = arith.constant 8 : i32
    scf.for %scan3A_209 = %scan3A_83 to %scan3A_85 step %scan3A_86  : i32 {
      %mul3A_210 = arith.constant 16 : i32
      %mul3A_211 = arith.muli %scan3A_209, %mul3A_210 : i32
      %get3A_212 = arith.index_cast %mul3A_211 : i32 to index
      %get3A_213 = tpu.vector_load %arg8[%get3A_212] {strides = array<i32>} : memref<10000xi32, #tpu.memory_space<vmem>>, vector<16xi32>,
      %mul3A_214 = arith.constant 16 : i32
      %mul3A_215 = arith.muli %scan3A_209, %mul3A_214 : i32
      %get3A_216 = arith.index_cast %mul3A_215 : i32 to index
      %get3A_217 = tpu.vector_load %arg7[%get3A_216] {strides = array<i32>} : memref<10000xf32, #tpu.memory_space<vmem>>, vector<16xf32>,
      tpu.vector_store_idx %arg9[%get3A_213], %get3A_217 {add = true} : memref<4096xf32, #tpu.memory_space<vmem>>[vector<16xi32>], vector<16xf32>,
      %scan3A_218 = arith.constant 1 : i32
      %scan3A_219 = arith.addi %scan3A_209, %scan3A_218 : i32
      %mul3A_220 = arith.constant 16 : i32
      %mul3A_221 = arith.muli %scan3A_219, %mul3A_220 : i32
      %get3A_222 = arith.index_cast %mul3A_221 : i32 to index
      %get3A_223 = tpu.vector_load %arg8[%get3A_222] {strides = array<i32>} : memref<10000xi32, #tpu.memory_space<vmem>>, vector<16xi32>,
      %mul3A_224 = arith.constant 16 : i32
      %mul3A_225 = arith.muli %scan3A_219, %mul3A_224 : i32
      %get3A_226 = arith.index_cast %mul3A_225 : i32 to index
      %get3A_227 = tpu.vector_load %arg7[%get3A_226] {strides = array<i32>} : memref<10000xf32, #tpu.memory_space<vmem>>, vector<16xf32>,
      tpu.vector_store_idx %arg9[%get3A_223], %get3A_227 {add = true} : memref<4096xf32, #tpu.memory_space<vmem>>[vector<16xi32>], vector<16xf32>,
      %scan3A_228 = arith.constant 2 : i32
      %scan3A_229 = arith.addi %scan3A_209, %scan3A_228 : i32
      %mul3A_230 = arith.constant 16 : i32
      %mul3A_231 = arith.muli %scan3A_229, %mul3A_230 : i32
      %get3A_232 = arith.index_cast %mul3A_231 : i32 to index
      %get3A_233 = tpu.vector_load %arg8[%get3A_232] {strides = array<i32>} : memref<10000xi32, #tpu.memory_space<vmem>>, vector<16xi32>,
      %mul3A_234 = arith.constant 16 : i32
      %mul3A_235 = arith.muli %scan3A_229, %mul3A_234 : i32
      %get3A_236 = arith.index_cast %mul3A_235 : i32 to index
      %get3A_237 = tpu.vector_load %arg7[%get3A_236] {strides = array<i32>} : memref<10000xf32, #tpu.memory_space<vmem>>, vector<16xf32>,
      tpu.vector_store_idx %arg9[%get3A_233], %get3A_237 {add = true} : memref<4096xf32, #tpu.memory_space<vmem>>[vector<16xi32>], vector<16xf32>,
      %scan3A_238 = arith.constant 3 : i32
      %scan3A_239 = arith.addi %scan3A_209, %scan3A_238 : i32
      %mul3A_240 = arith.constant 16 : i32
      %mul3A_241 = arith.muli %scan3A_239, %mul3A_240 : i32
      %get3A_242 = arith.index_cast %mul3A_241 : i32 to index
      %get3A_243 = tpu.vector_load %arg8[%get3A_242] {strides = array<i32>} : memref<10000xi32, #tpu.memory_space<vmem>>, vector<16xi32>,
      %mul3A_244 = arith.constant 16 : i32
      %mul3A_245 = arith.muli %scan3A_239, %mul3A_244 : i32
      %get3A_246 = arith.index_cast %mul3A_245 : i32 to index
      %get3A_247 = tpu.vector_load %arg7[%get3A_246] {strides = array<i32>} : memref<10000xf32, #tpu.memory_space<vmem>>, vector<16xf32>,
      tpu.vector_store_idx %arg9[%get3A_243], %get3A_247 {add = true} : memref<4096xf32, #tpu.memory_space<vmem>>[vector<16xi32>], vector<16xf32>,
      %scan3A_248 = arith.constant 4 : i32
      %scan3A_249 = arith.addi %scan3A_209, %scan3A_248 : i32
      %mul3A_250 = arith.constant 16 : i32
      %mul3A_251 = arith.muli %scan3A_249, %mul3A_250 : i32
      %get3A_252 = arith.index_cast %mul3A_251 : i32 to index
      %get3A_253 = tpu.vector_load %arg8[%get3A_252] {strides = array<i32>} : memref<10000xi32, #tpu.memory_space<vmem>>, vector<16xi32>,
      %mul3A_254 = arith.constant 16 : i32
      %mul3A_255 = arith.muli %scan3A_249, %mul3A_254 : i32
      %get3A_256 = arith.index_cast %mul3A_255 : i32 to index
      %get3A_257 = tpu.vector_load %arg7[%get3A_256] {strides = array<i32>} : memref<10000xf32, #tpu.memory_space<vmem>>, vector<16xf32>,
      tpu.vector_store_idx %arg9[%get3A_253], %get3A_257 {add = true} : memref<4096xf32, #tpu.memory_space<vmem>>[vector<16xi32>], vector<16xf32>,
      %scan3A_258 = arith.constant 5 : i32
      %scan3A_259 = arith.addi %scan3A_209, %scan3A_258 : i32
      %mul3A_260 = arith.constant 16 : i32
      %mul3A_261 = arith.muli %scan3A_259, %mul3A_260 : i32
      %get3A_262 = arith.index_cast %mul3A_261 : i32 to index
      %get3A_263 = tpu.vector_load %arg8[%get3A_262] {strides = array<i32>} : memref<10000xi32, #tpu.memory_space<vmem>>, vector<16xi32>,
      %mul3A_264 = arith.constant 16 : i32
      %mul3A_265 = arith.muli %scan3A_259, %mul3A_264 : i32
      %get3A_266 = arith.index_cast %mul3A_265 : i32 to index
      %get3A_267 = tpu.vector_load %arg7[%get3A_266] {strides = array<i32>} : memref<10000xf32, #tpu.memory_space<vmem>>, vector<16xf32>,
      tpu.vector_store_idx %arg9[%get3A_263], %get3A_267 {add = true} : memref<4096xf32, #tpu.memory_space<vmem>>[vector<16xi32>], vector<16xf32>,
      %scan3A_268 = arith.constant 6 : i32
      %scan3A_269 = arith.addi %scan3A_209, %scan3A_268 : i32
      %mul3A_270 = arith.constant 16 : i32
      %mul3A_271 = arith.muli %scan3A_269, %mul3A_270 : i32
      %get3A_272 = arith.index_cast %mul3A_271 : i32 to index
      %get3A_273 = tpu.vector_load %arg8[%get3A_272] {strides = array<i32>} : memref<10000xi32, #tpu.memory_space<vmem>>, vector<16xi32>,
      %mul3A_274 = arith.constant 16 : i32
      %mul3A_275 = arith.muli %scan3A_269, %mul3A_274 : i32
      %get3A_276 = arith.index_cast %mul3A_275 : i32 to index
      %get3A_277 = tpu.vector_load %arg7[%get3A_276] {strides = array<i32>} : memref<10000xf32, #tpu.memory_space<vmem>>, vector<16xf32>,
      tpu.vector_store_idx %arg9[%get3A_273], %get3A_277 {add = true} : memref<4096xf32, #tpu.memory_space<vmem>>[vector<16xi32>], vector<16xf32>,
      %scan3A_278 = arith.constant 7 : i32
      %scan3A_279 = arith.addi %scan3A_209, %scan3A_278 : i32
      %mul3A_280 = arith.constant 16 : i32
      %mul3A_281 = arith.muli %scan3A_279, %mul3A_280 : i32
      %get3A_282 = arith.index_cast %mul3A_281 : i32 to index
      %get3A_283 = tpu.vector_load %arg8[%get3A_282] {strides = array<i32>} : memref<10000xi32, #tpu.memory_space<vmem>>, vector<16xi32>,
      %mul3A_284 = arith.constant 16 : i32
      %mul3A_285 = arith.muli %scan3A_279, %mul3A_284 : i32
      %get3A_286 = arith.index_cast %mul3A_285 : i32 to index
      %get3A_287 = tpu.vector_load %arg7[%get3A_286] {strides = array<i32>} : memref<10000xf32, #tpu.memory_space<vmem>>, vector<16xf32>,
      tpu.vector_store_idx %arg9[%get3A_283], %get3A_287 {add = true} : memref<4096xf32, #tpu.memory_space<vmem>>[vector<16xi32>], vector<16xf32>,
    }
    %scan3A_87 = arith.constant 624 : i32
    %scan3A_88 = arith.addi %scan3A_83, %scan3A_87 : i32
    %mul3A_89 = arith.constant 16 : i32
    %mul3A_90 = arith.muli %scan3A_88, %mul3A_89 : i32
    %get3A_91 = arith.index_cast %mul3A_90 : i32 to index
    %get3A_92 = tpu.vector_load %arg8[%get3A_91] {strides = array<i32>} : memref<10000xi32, #tpu.memory_space<vmem>>, vector<16xi32>,
    %mul3A_93 = arith.constant 16 : i32
    %mul3A_94 = arith.muli %scan3A_88, %mul3A_93 : i32
    %get3A_95 = arith.index_cast %mul3A_94 : i32 to index
    %get3A_96 = tpu.vector_load %arg7[%get3A_95] {strides = array<i32>} : memref<10000xf32, #tpu.memory_space<vmem>>, vector<16xf32>,
    tpu.vector_store_idx %arg9[%get3A_92], %get3A_96 {add = true} : memref<4096xf32, #tpu.memory_space<vmem>>[vector<16xi32>], vector<16xf32>,
    %scan3A_97 = arith.constant 625 : i32
    %add3A_98 = arith.constant 30000 : i32
    %add3A_99 = arith.addi %mul3A_2, %add3A_98 : i32
    %dma_start3A_100 = arith.constant 2 : i32
    %dma_start3A_101 = tpu.memref_slice %arg2[%add3A_99] : memref<1600000xf32, #tpu.memory_space<hbm>> -> memref<10000xf32, #tpu.memory_space<hbm>>
    %dma_start3A_102 = tpu.memref_slice %arg10[%dma_start3A_100] : memref<4x!tpu.dma_semaphore, #tpu.memory_space<semaphore_mem>> -> memref<1x!tpu.dma_semaphore, #tpu.memory_space<semaphore_mem>>
    %dma_start3A_103 = tpu.memref_squeeze %dma_start3A_102 : memref<1x!tpu.dma_semaphore, #tpu.memory_space<semaphore_mem>> -> memref<!tpu.dma_semaphore, #tpu.memory_space<semaphore_mem>>
    %dma_start3A_104 = tpu.memref_slice %arg2[%add3A_99] : memref<1600000xf32, #tpu.memory_space<hbm>> -> memref<10000xf32, #tpu.memory_space<hbm>>
    tpu.enqueue_dma source(%dma_start3A_104 : memref<10000xf32, #tpu.memory_space<hbm>>) target(%arg7 : memref<10000xf32, #tpu.memory_space<vmem>>) target_semaphore(%dma_start3A_103 : memref<!tpu.dma_semaphore, #tpu.memory_space<semaphore_mem>>)
    %dma_start3A_105 = arith.constant 3 : i32
    %dma_start3A_106 = tpu.memref_slice %arg3[%add3A_99] : memref<1600000xi32, #tpu.memory_space<hbm>> -> memref<10000xi32, #tpu.memory_space<hbm>>
    %dma_start3A_107 = tpu.memref_slice %arg10[%dma_start3A_105] : memref<4x!tpu.dma_semaphore, #tpu.memory_space<semaphore_mem>> -> memref<1x!tpu.dma_semaphore, #tpu.memory_space<semaphore_mem>>
    %dma_start3A_108 = tpu.memref_squeeze %dma_start3A_107 : memref<1x!tpu.dma_semaphore, #tpu.memory_space<semaphore_mem>> -> memref<!tpu.dma_semaphore, #tpu.memory_space<semaphore_mem>>
    %dma_start3A_109 = tpu.memref_slice %arg3[%add3A_99] : memref<1600000xi32, #tpu.memory_space<hbm>> -> memref<10000xi32, #tpu.memory_space<hbm>>
    tpu.enqueue_dma source(%dma_start3A_109 : memref<10000xi32, #tpu.memory_space<hbm>>) target(%arg8 : memref<10000xi32, #tpu.memory_space<vmem>>) target_semaphore(%dma_start3A_108 : memref<!tpu.dma_semaphore, #tpu.memory_space<semaphore_mem>>)
    %dma_wait3A_110 = arith.constant 0 : i32
    %dma_wait3A_111 = arith.constant 0 : i32
    %dma_wait3A_112 = tpu.memref_slice %arg2[%dma_wait3A_111] : memref<1600000xf32, #tpu.memory_space<hbm>> -> memref<10000xf32, #tpu.memory_space<hbm>>
    %dma_wait3A_113 = tpu.memref_slice %arg10[%dma_wait3A_110] : memref<4x!tpu.dma_semaphore, #tpu.memory_space<semaphore_mem>> -> memref<1x!tpu.dma_semaphore, #tpu.memory_space<semaphore_mem>>
    %dma_wait3A_114 = tpu.memref_squeeze %dma_wait3A_113 : memref<1x!tpu.dma_semaphore, #tpu.memory_space<semaphore_mem>> -> memref<!tpu.dma_semaphore, #tpu.memory_space<semaphore_mem>>
    %dma_wait3A_115 = arith.constant 0 : i32
    %dma_wait3A_116 = tpu.memref_slice %arg2[%dma_wait3A_115] : memref<1600000xf32, #tpu.memory_space<hbm>> -> memref<10000xf32, #tpu.memory_space<hbm>>
    tpu.wait_dma2 semaphore(%dma_wait3A_114 : memref<!tpu.dma_semaphore, #tpu.memory_space<semaphore_mem>>) src(%dma_wait3A_116 : memref<10000xf32, #tpu.memory_space<hbm>>) dst(%arg5 : memref<10000xf32, #tpu.memory_space<vmem>>)
    %dma_wait3A_117 = arith.constant 1 : i32
    %dma_wait3A_118 = arith.constant 0 : i32
    %dma_wait3A_119 = tpu.memref_slice %arg3[%dma_wait3A_118] : memref<1600000xi32, #tpu.memory_space<hbm>> -> memref<10000xi32, #tpu.memory_space<hbm>>
    %dma_wait3A_120 = tpu.memref_slice %arg10[%dma_wait3A_117] : memref<4x!tpu.dma_semaphore, #tpu.memory_space<semaphore_mem>> -> memref<1x!tpu.dma_semaphore, #tpu.memory_space<semaphore_mem>>
    %dma_wait3A_121 = tpu.memref_squeeze %dma_wait3A_120 : memref<1x!tpu.dma_semaphore, #tpu.memory_space<semaphore_mem>> -> memref<!tpu.dma_semaphore, #tpu.memory_space<semaphore_mem>>
    %dma_wait3A_122 = arith.constant 0 : i32
    %dma_wait3A_123 = tpu.memref_slice %arg3[%dma_wait3A_122] : memref<1600000xi32, #tpu.memory_space<hbm>> -> memref<10000xi32, #tpu.memory_space<hbm>>
    tpu.wait_dma2 semaphore(%dma_wait3A_121 : memref<!tpu.dma_semaphore, #tpu.memory_space<semaphore_mem>>) src(%dma_wait3A_123 : memref<10000xi32, #tpu.memory_space<hbm>>) dst(%arg6 : memref<10000xi32, #tpu.memory_space<vmem>>)
    %scan3A_124 = arith.constant 0 : i32
    %scan3A_125 = arith.constant 624 : i32
    %scan3A_126 = arith.addi %scan3A_124, %scan3A_125 : i32
    %scan3A_127 = arith.constant 8 : i32
    scf.for %scan3A_209 = %scan3A_124 to %scan3A_126 step %scan3A_127  : i32 {
      %mul3A_210 = arith.constant 16 : i32
      %mul3A_211 = arith.muli %scan3A_209, %mul3A_210 : i32
      %get3A_212 = arith.index_cast %mul3A_211 : i32 to index
      %get3A_213 = tpu.vector_load %arg6[%get3A_212] {strides = array<i32>} : memref<10000xi32, #tpu.memory_space<vmem>>, vector<16xi32>,
      %mul3A_214 = arith.constant 16 : i32
      %mul3A_215 = arith.muli %scan3A_209, %mul3A_214 : i32
      %get3A_216 = arith.index_cast %mul3A_215 : i32 to index
      %get3A_217 = tpu.vector_load %arg5[%get3A_216] {strides = array<i32>} : memref<10000xf32, #tpu.memory_space<vmem>>, vector<16xf32>,
      tpu.vector_store_idx %arg9[%get3A_213], %get3A_217 {add = true} : memref<4096xf32, #tpu.memory_space<vmem>>[vector<16xi32>], vector<16xf32>,
      %scan3A_218 = arith.constant 1 : i32
      %scan3A_219 = arith.addi %scan3A_209, %scan3A_218 : i32
      %mul3A_220 = arith.constant 16 : i32
      %mul3A_221 = arith.muli %scan3A_219, %mul3A_220 : i32
      %get3A_222 = arith.index_cast %mul3A_221 : i32 to index
      %get3A_223 = tpu.vector_load %arg6[%get3A_222] {strides = array<i32>} : memref<10000xi32, #tpu.memory_space<vmem>>, vector<16xi32>,
      %mul3A_224 = arith.constant 16 : i32
      %mul3A_225 = arith.muli %scan3A_219, %mul3A_224 : i32
      %get3A_226 = arith.index_cast %mul3A_225 : i32 to index
      %get3A_227 = tpu.vector_load %arg5[%get3A_226] {strides = array<i32>} : memref<10000xf32, #tpu.memory_space<vmem>>, vector<16xf32>,
      tpu.vector_store_idx %arg9[%get3A_223], %get3A_227 {add = true} : memref<4096xf32, #tpu.memory_space<vmem>>[vector<16xi32>], vector<16xf32>,
      %scan3A_228 = arith.constant 2 : i32
      %scan3A_229 = arith.addi %scan3A_209, %scan3A_228 : i32
      %mul3A_230 = arith.constant 16 : i32
      %mul3A_231 = arith.muli %scan3A_229, %mul3A_230 : i32
      %get3A_232 = arith.index_cast %mul3A_231 : i32 to index
      %get3A_233 = tpu.vector_load %arg6[%get3A_232] {strides = array<i32>} : memref<10000xi32, #tpu.memory_space<vmem>>, vector<16xi32>,
      %mul3A_234 = arith.constant 16 : i32
      %mul3A_235 = arith.muli %scan3A_229, %mul3A_234 : i32
      %get3A_236 = arith.index_cast %mul3A_235 : i32 to index
      %get3A_237 = tpu.vector_load %arg5[%get3A_236] {strides = array<i32>} : memref<10000xf32, #tpu.memory_space<vmem>>, vector<16xf32>,
      tpu.vector_store_idx %arg9[%get3A_233], %get3A_237 {add = true} : memref<4096xf32, #tpu.memory_space<vmem>>[vector<16xi32>], vector<16xf32>,
      %scan3A_238 = arith.constant 3 : i32
      %scan3A_239 = arith.addi %scan3A_209, %scan3A_238 : i32
      %mul3A_240 = arith.constant 16 : i32
      %mul3A_241 = arith.muli %scan3A_239, %mul3A_240 : i32
      %get3A_242 = arith.index_cast %mul3A_241 : i32 to index
      %get3A_243 = tpu.vector_load %arg6[%get3A_242] {strides = array<i32>} : memref<10000xi32, #tpu.memory_space<vmem>>, vector<16xi32>,
      %mul3A_244 = arith.constant 16 : i32
      %mul3A_245 = arith.muli %scan3A_239, %mul3A_244 : i32
      %get3A_246 = arith.index_cast %mul3A_245 : i32 to index
      %get3A_247 = tpu.vector_load %arg5[%get3A_246] {strides = array<i32>} : memref<10000xf32, #tpu.memory_space<vmem>>, vector<16xf32>,
      tpu.vector_store_idx %arg9[%get3A_243], %get3A_247 {add = true} : memref<4096xf32, #tpu.memory_space<vmem>>[vector<16xi32>], vector<16xf32>,
      %scan3A_248 = arith.constant 4 : i32
      %scan3A_249 = arith.addi %scan3A_209, %scan3A_248 : i32
      %mul3A_250 = arith.constant 16 : i32
      %mul3A_251 = arith.muli %scan3A_249, %mul3A_250 : i32
      %get3A_252 = arith.index_cast %mul3A_251 : i32 to index
      %get3A_253 = tpu.vector_load %arg6[%get3A_252] {strides = array<i32>} : memref<10000xi32, #tpu.memory_space<vmem>>, vector<16xi32>,
      %mul3A_254 = arith.constant 16 : i32
      %mul3A_255 = arith.muli %scan3A_249, %mul3A_254 : i32
      %get3A_256 = arith.index_cast %mul3A_255 : i32 to index
      %get3A_257 = tpu.vector_load %arg5[%get3A_256] {strides = array<i32>} : memref<10000xf32, #tpu.memory_space<vmem>>, vector<16xf32>,
      tpu.vector_store_idx %arg9[%get3A_253], %get3A_257 {add = true} : memref<4096xf32, #tpu.memory_space<vmem>>[vector<16xi32>], vector<16xf32>,
      %scan3A_258 = arith.constant 5 : i32
      %scan3A_259 = arith.addi %scan3A_209, %scan3A_258 : i32
      %mul3A_260 = arith.constant 16 : i32
      %mul3A_261 = arith.muli %scan3A_259, %mul3A_260 : i32
      %get3A_262 = arith.index_cast %mul3A_261 : i32 to index
      %get3A_263 = tpu.vector_load %arg6[%get3A_262] {strides = array<i32>} : memref<10000xi32, #tpu.memory_space<vmem>>, vector<16xi32>,
      %mul3A_264 = arith.constant 16 : i32
      %mul3A_265 = arith.muli %scan3A_259, %mul3A_264 : i32
      %get3A_266 = arith.index_cast %mul3A_265 : i32 to index
      %get3A_267 = tpu.vector_load %arg5[%get3A_266] {strides = array<i32>} : memref<10000xf32, #tpu.memory_space<vmem>>, vector<16xf32>,
      tpu.vector_store_idx %arg9[%get3A_263], %get3A_267 {add = true} : memref<4096xf32, #tpu.memory_space<vmem>>[vector<16xi32>], vector<16xf32>,
      %scan3A_268 = arith.constant 6 : i32
      %scan3A_269 = arith.addi %scan3A_209, %scan3A_268 : i32
      %mul3A_270 = arith.constant 16 : i32
      %mul3A_271 = arith.muli %scan3A_269, %mul3A_270 : i32
      %get3A_272 = arith.index_cast %mul3A_271 : i32 to index
      %get3A_273 = tpu.vector_load %arg6[%get3A_272] {strides = array<i32>} : memref<10000xi32, #tpu.memory_space<vmem>>, vector<16xi32>,
      %mul3A_274 = arith.constant 16 : i32
      %mul3A_275 = arith.muli %scan3A_269, %mul3A_274 : i32
      %get3A_276 = arith.index_cast %mul3A_275 : i32 to index
      %get3A_277 = tpu.vector_load %arg5[%get3A_276] {strides = array<i32>} : memref<10000xf32, #tpu.memory_space<vmem>>, vector<16xf32>,
      tpu.vector_store_idx %arg9[%get3A_273], %get3A_277 {add = true} : memref<4096xf32, #tpu.memory_space<vmem>>[vector<16xi32>], vector<16xf32>,
      %scan3A_278 = arith.constant 7 : i32
      %scan3A_279 = arith.addi %scan3A_209, %scan3A_278 : i32
      %mul3A_280 = arith.constant 16 : i32
      %mul3A_281 = arith.muli %scan3A_279, %mul3A_280 : i32
      %get3A_282 = arith.index_cast %mul3A_281 : i32 to index
      %get3A_283 = tpu.vector_load %arg6[%get3A_282] {strides = array<i32>} : memref<10000xi32, #tpu.memory_space<vmem>>, vector<16xi32>,
      %mul3A_284 = arith.constant 16 : i32
      %mul3A_285 = arith.muli %scan3A_279, %mul3A_284 : i32
      %get3A_286 = arith.index_cast %mul3A_285 : i32 to index
      %get3A_287 = tpu.vector_load %arg5[%get3A_286] {strides = array<i32>} : memref<10000xf32, #tpu.memory_space<vmem>>, vector<16xf32>,
      tpu.vector_store_idx %arg9[%get3A_283], %get3A_287 {add = true} : memref<4096xf32, #tpu.memory_space<vmem>>[vector<16xi32>], vector<16xf32>,
    }
    %scan3A_128 = arith.constant 624 : i32
    %scan3A_129 = arith.addi %scan3A_124, %scan3A_128 : i32
    %mul3A_130 = arith.constant 16 : i32
    %mul3A_131 = arith.muli %scan3A_129, %mul3A_130 : i32
    %get3A_132 = arith.index_cast %mul3A_131 : i32 to index
    %get3A_133 = tpu.vector_load %arg6[%get3A_132] {strides = array<i32>} : memref<10000xi32, #tpu.memory_space<vmem>>, vector<16xi32>,
    %mul3A_134 = arith.constant 16 : i32
    %mul3A_135 = arith.muli %scan3A_129, %mul3A_134 : i32
    %get3A_136 = arith.index_cast %mul3A_135 : i32 to index
    %get3A_137 = tpu.vector_load %arg5[%get3A_136] {strides = array<i32>} : memref<10000xf32, #tpu.memory_space<vmem>>, vector<16xf32>,
    tpu.vector_store_idx %arg9[%get3A_133], %get3A_137 {add = true} : memref<4096xf32, #tpu.memory_space<vmem>>[vector<16xi32>], vector<16xf32>,
    %scan3A_138 = arith.constant 625 : i32
    %add3A_139 = arith.constant 40000 : i32
    %add3A_140 = arith.addi %mul3A_2, %add3A_139 : i32
    %dma_start3A_141 = arith.constant 0 : i32
    %dma_start3A_142 = tpu.memref_slice %arg2[%add3A_140] : memref<1600000xf32, #tpu.memory_space<hbm>> -> memref<10000xf32, #tpu.memory_space<hbm>>
    %dma_start3A_143 = tpu.memref_slice %arg10[%dma_start3A_141] : memref<4x!tpu.dma_semaphore, #tpu.memory_space<semaphore_mem>> -> memref<1x!tpu.dma_semaphore, #tpu.memory_space<semaphore_mem>>
    %dma_start3A_144 = tpu.memref_squeeze %dma_start3A_143 : memref<1x!tpu.dma_semaphore, #tpu.memory_space<semaphore_mem>> -> memref<!tpu.dma_semaphore, #tpu.memory_space<semaphore_mem>>
    %dma_start3A_145 = tpu.memref_slice %arg2[%add3A_140] : memref<1600000xf32, #tpu.memory_space<hbm>> -> memref<10000xf32, #tpu.memory_space<hbm>>
    tpu.enqueue_dma source(%dma_start3A_145 : memref<10000xf32, #tpu.memory_space<hbm>>) target(%arg5 : memref<10000xf32, #tpu.memory_space<vmem>>) target_semaphore(%dma_start3A_144 : memref<!tpu.dma_semaphore, #tpu.memory_space<semaphore_mem>>)
    %dma_start3A_146 = arith.constant 1 : i32
    %dma_start3A_147 = tpu.memref_slice %arg3[%add3A_140] : memref<1600000xi32, #tpu.memory_space<hbm>> -> memref<10000xi32, #tpu.memory_space<hbm>>
    %dma_start3A_148 = tpu.memref_slice %arg10[%dma_start3A_146] : memref<4x!tpu.dma_semaphore, #tpu.memory_space<semaphore_mem>> -> memref<1x!tpu.dma_semaphore, #tpu.memory_space<semaphore_mem>>
    %dma_start3A_149 = tpu.memref_squeeze %dma_start3A_148 : memref<1x!tpu.dma_semaphore, #tpu.memory_space<semaphore_mem>> -> memref<!tpu.dma_semaphore, #tpu.memory_space<semaphore_mem>>
    %dma_start3A_150 = tpu.memref_slice %arg3[%add3A_140] : memref<1600000xi32, #tpu.memory_space<hbm>> -> memref<10000xi32, #tpu.memory_space<hbm>>
    tpu.enqueue_dma source(%dma_start3A_150 : memref<10000xi32, #tpu.memory_space<hbm>>) target(%arg6 : memref<10000xi32, #tpu.memory_space<vmem>>) target_semaphore(%dma_start3A_149 : memref<!tpu.dma_semaphore, #tpu.memory_space<semaphore_mem>>)
    %dma_wait3A_151 = arith.constant 2 : i32
    %dma_wait3A_152 = arith.constant 0 : i32
    %dma_wait3A_153 = tpu.memref_slice %arg2[%dma_wait3A_152] : memref<1600000xf32, #tpu.memory_space<hbm>> -> memref<10000xf32, #tpu.memory_space<hbm>>
    %dma_wait3A_154 = tpu.memref_slice %arg10[%dma_wait3A_151] : memref<4x!tpu.dma_semaphore, #tpu.memory_space<semaphore_mem>> -> memref<1x!tpu.dma_semaphore, #tpu.memory_space<semaphore_mem>>
    %dma_wait3A_155 = tpu.memref_squeeze %dma_wait3A_154 : memref<1x!tpu.dma_semaphore, #tpu.memory_space<semaphore_mem>> -> memref<!tpu.dma_semaphore, #tpu.memory_space<semaphore_mem>>
    %dma_wait3A_156 = arith.constant 0 : i32
    %dma_wait3A_157 = tpu.memref_slice %arg2[%dma_wait3A_156] : memref<1600000xf32, #tpu.memory_space<hbm>> -> memref<10000xf32, #tpu.memory_space<hbm>>
    tpu.wait_dma2 semaphore(%dma_wait3A_155 : memref<!tpu.dma_semaphore, #tpu.memory_space<semaphore_mem>>) src(%dma_wait3A_157 : memref<10000xf32, #tpu.memory_space<hbm>>) dst(%arg7 : memref<10000xf32, #tpu.memory_space<vmem>>)
    %dma_wait3A_158 = arith.constant 3 : i32
    %dma_wait3A_159 = arith.constant 0 : i32
    %dma_wait3A_160 = tpu.memref_slice %arg3[%dma_wait3A_159] : memref<1600000xi32, #tpu.memory_space<hbm>> -> memref<10000xi32, #tpu.memory_space<hbm>>
    %dma_wait3A_161 = tpu.memref_slice %arg10[%dma_wait3A_158] : memref<4x!tpu.dma_semaphore, #tpu.memory_space<semaphore_mem>> -> memref<1x!tpu.dma_semaphore, #tpu.memory_space<semaphore_mem>>
    %dma_wait3A_162 = tpu.memref_squeeze %dma_wait3A_161 : memref<1x!tpu.dma_semaphore, #tpu.memory_space<semaphore_mem>> -> memref<!tpu.dma_semaphore, #tpu.memory_space<semaphore_mem>>
    %dma_wait3A_163 = arith.constant 0 : i32
    %dma_wait3A_164 = tpu.memref_slice %arg3[%dma_wait3A_163] : memref<1600000xi32, #tpu.memory_space<hbm>> -> memref<10000xi32, #tpu.memory_space<hbm>>
    tpu.wait_dma2 semaphore(%dma_wait3A_162 : memref<!tpu.dma_semaphore, #tpu.memory_space<semaphore_mem>>) src(%dma_wait3A_164 : memref<10000xi32, #tpu.memory_space<hbm>>) dst(%arg8 : memref<10000xi32, #tpu.memory_space<vmem>>)
    %scan3A_165 = arith.constant 0 : i32
    %scan3A_166 = arith.constant 624 : i32
    %scan3A_167 = arith.addi %scan3A_165, %scan3A_166 : i32
    %scan3A_168 = arith.constant 8 : i32
    scf.for %scan3A_209 = %scan3A_165 to %scan3A_167 step %scan3A_168  : i32 {
      %mul3A_210 = arith.constant 16 : i32
      %mul3A_211 = arith.muli %scan3A_209, %mul3A_210 : i32
      %get3A_212 = arith.index_cast %mul3A_211 : i32 to index
      %get3A_213 = tpu.vector_load %arg8[%get3A_212] {strides = array<i32>} : memref<10000xi32, #tpu.memory_space<vmem>>, vector<16xi32>,
      %mul3A_214 = arith.constant 16 : i32
      %mul3A_215 = arith.muli %scan3A_209, %mul3A_214 : i32
      %get3A_216 = arith.index_cast %mul3A_215 : i32 to index
      %get3A_217 = tpu.vector_load %arg7[%get3A_216] {strides = array<i32>} : memref<10000xf32, #tpu.memory_space<vmem>>, vector<16xf32>,
      tpu.vector_store_idx %arg9[%get3A_213], %get3A_217 {add = true} : memref<4096xf32, #tpu.memory_space<vmem>>[vector<16xi32>], vector<16xf32>,
      %scan3A_218 = arith.constant 1 : i32
      %scan3A_219 = arith.addi %scan3A_209, %scan3A_218 : i32
      %mul3A_220 = arith.constant 16 : i32
      %mul3A_221 = arith.muli %scan3A_219, %mul3A_220 : i32
      %get3A_222 = arith.index_cast %mul3A_221 : i32 to index
      %get3A_223 = tpu.vector_load %arg8[%get3A_222] {strides = array<i32>} : memref<10000xi32, #tpu.memory_space<vmem>>, vector<16xi32>,
      %mul3A_224 = arith.constant 16 : i32
      %mul3A_225 = arith.muli %scan3A_219, %mul3A_224 : i32
      %get3A_226 = arith.index_cast %mul3A_225 : i32 to index
      %get3A_227 = tpu.vector_load %arg7[%get3A_226] {strides = array<i32>} : memref<10000xf32, #tpu.memory_space<vmem>>, vector<16xf32>,
      tpu.vector_store_idx %arg9[%get3A_223], %get3A_227 {add = true} : memref<4096xf32, #tpu.memory_space<vmem>>[vector<16xi32>], vector<16xf32>,
      %scan3A_228 = arith.constant 2 : i32
      %scan3A_229 = arith.addi %scan3A_209, %scan3A_228 : i32
      %mul3A_230 = arith.constant 16 : i32
      %mul3A_231 = arith.muli %scan3A_229, %mul3A_230 : i32
      %get3A_232 = arith.index_cast %mul3A_231 : i32 to index
      %get3A_233 = tpu.vector_load %arg8[%get3A_232] {strides = array<i32>} : memref<10000xi32, #tpu.memory_space<vmem>>, vector<16xi32>,
      %mul3A_234 = arith.constant 16 : i32
      %mul3A_235 = arith.muli %scan3A_229, %mul3A_234 : i32
      %get3A_236 = arith.index_cast %mul3A_235 : i32 to index
      %get3A_237 = tpu.vector_load %arg7[%get3A_236] {strides = array<i32>} : memref<10000xf32, #tpu.memory_space<vmem>>, vector<16xf32>,
      tpu.vector_store_idx %arg9[%get3A_233], %get3A_237 {add = true} : memref<4096xf32, #tpu.memory_space<vmem>>[vector<16xi32>], vector<16xf32>,
      %scan3A_238 = arith.constant 3 : i32
      %scan3A_239 = arith.addi %scan3A_209, %scan3A_238 : i32
      %mul3A_240 = arith.constant 16 : i32
      %mul3A_241 = arith.muli %scan3A_239, %mul3A_240 : i32
      %get3A_242 = arith.index_cast %mul3A_241 : i32 to index
      %get3A_243 = tpu.vector_load %arg8[%get3A_242] {strides = array<i32>} : memref<10000xi32, #tpu.memory_space<vmem>>, vector<16xi32>,
      %mul3A_244 = arith.constant 16 : i32
      %mul3A_245 = arith.muli %scan3A_239, %mul3A_244 : i32
      %get3A_246 = arith.index_cast %mul3A_245 : i32 to index
      %get3A_247 = tpu.vector_load %arg7[%get3A_246] {strides = array<i32>} : memref<10000xf32, #tpu.memory_space<vmem>>, vector<16xf32>,
      tpu.vector_store_idx %arg9[%get3A_243], %get3A_247 {add = true} : memref<4096xf32, #tpu.memory_space<vmem>>[vector<16xi32>], vector<16xf32>,
      %scan3A_248 = arith.constant 4 : i32
      %scan3A_249 = arith.addi %scan3A_209, %scan3A_248 : i32
      %mul3A_250 = arith.constant 16 : i32
      %mul3A_251 = arith.muli %scan3A_249, %mul3A_250 : i32
      %get3A_252 = arith.index_cast %mul3A_251 : i32 to index
      %get3A_253 = tpu.vector_load %arg8[%get3A_252] {strides = array<i32>} : memref<10000xi32, #tpu.memory_space<vmem>>, vector<16xi32>,
      %mul3A_254 = arith.constant 16 : i32
      %mul3A_255 = arith.muli %scan3A_249, %mul3A_254 : i32
      %get3A_256 = arith.index_cast %mul3A_255 : i32 to index
      %get3A_257 = tpu.vector_load %arg7[%get3A_256] {strides = array<i32>} : memref<10000xf32, #tpu.memory_space<vmem>>, vector<16xf32>,
      tpu.vector_store_idx %arg9[%get3A_253], %get3A_257 {add = true} : memref<4096xf32, #tpu.memory_space<vmem>>[vector<16xi32>], vector<16xf32>,
      %scan3A_258 = arith.constant 5 : i32
      %scan3A_259 = arith.addi %scan3A_209, %scan3A_258 : i32
      %mul3A_260 = arith.constant 16 : i32
      %mul3A_261 = arith.muli %scan3A_259, %mul3A_260 : i32
      %get3A_262 = arith.index_cast %mul3A_261 : i32 to index
      %get3A_263 = tpu.vector_load %arg8[%get3A_262] {strides = array<i32>} : memref<10000xi32, #tpu.memory_space<vmem>>, vector<16xi32>,
      %mul3A_264 = arith.constant 16 : i32
      %mul3A_265 = arith.muli %scan3A_259, %mul3A_264 : i32
      %get3A_266 = arith.index_cast %mul3A_265 : i32 to index
      %get3A_267 = tpu.vector_load %arg7[%get3A_266] {strides = array<i32>} : memref<10000xf32, #tpu.memory_space<vmem>>, vector<16xf32>,
      tpu.vector_store_idx %arg9[%get3A_263], %get3A_267 {add = true} : memref<4096xf32, #tpu.memory_space<vmem>>[vector<16xi32>], vector<16xf32>,
      %scan3A_268 = arith.constant 6 : i32
      %scan3A_269 = arith.addi %scan3A_209, %scan3A_268 : i32
      %mul3A_270 = arith.constant 16 : i32
      %mul3A_271 = arith.muli %scan3A_269, %mul3A_270 : i32
      %get3A_272 = arith.index_cast %mul3A_271 : i32 to index
      %get3A_273 = tpu.vector_load %arg8[%get3A_272] {strides = array<i32>} : memref<10000xi32, #tpu.memory_space<vmem>>, vector<16xi32>,
      %mul3A_274 = arith.constant 16 : i32
      %mul3A_275 = arith.muli %scan3A_269, %mul3A_274 : i32
      %get3A_276 = arith.index_cast %mul3A_275 : i32 to index
      %get3A_277 = tpu.vector_load %arg7[%get3A_276] {strides = array<i32>} : memref<10000xf32, #tpu.memory_space<vmem>>, vector<16xf32>,
      tpu.vector_store_idx %arg9[%get3A_273], %get3A_277 {add = true} : memref<4096xf32, #tpu.memory_space<vmem>>[vector<16xi32>], vector<16xf32>,
      %scan3A_278 = arith.constant 7 : i32
      %scan3A_279 = arith.addi %scan3A_209, %scan3A_278 : i32
      %mul3A_280 = arith.constant 16 : i32
      %mul3A_281 = arith.muli %scan3A_279, %mul3A_280 : i32
      %get3A_282 = arith.index_cast %mul3A_281 : i32 to index
      %get3A_283 = tpu.vector_load %arg8[%get3A_282] {strides = array<i32>} : memref<10000xi32, #tpu.memory_space<vmem>>, vector<16xi32>,
      %mul3A_284 = arith.constant 16 : i32
      %mul3A_285 = arith.muli %scan3A_279, %mul3A_284 : i32
      %get3A_286 = arith.index_cast %mul3A_285 : i32 to index
      %get3A_287 = tpu.vector_load %arg7[%get3A_286] {strides = array<i32>} : memref<10000xf32, #tpu.memory_space<vmem>>, vector<16xf32>,
      tpu.vector_store_idx %arg9[%get3A_283], %get3A_287 {add = true} : memref<4096xf32, #tpu.memory_space<vmem>>[vector<16xi32>], vector<16xf32>,
    }
    %scan3A_169 = arith.constant 624 : i32
    %scan3A_170 = arith.addi %scan3A_165, %scan3A_169 : i32
    %mul3A_171 = arith.constant 16 : i32
    %mul3A_172 = arith.muli %scan3A_170, %mul3A_171 : i32
    %get3A_173 = arith.index_cast %mul3A_172 : i32 to index
    %get3A_174 = tpu.vector_load %arg8[%get3A_173] {strides = array<i32>} : memref<10000xi32, #tpu.memory_space<vmem>>, vector<16xi32>,
    %mul3A_175 = arith.constant 16 : i32
    %mul3A_176 = arith.muli %scan3A_170, %mul3A_175 : i32
    %get3A_177 = arith.index_cast %mul3A_176 : i32 to index
    %get3A_178 = tpu.vector_load %arg7[%get3A_177] {strides = array<i32>} : memref<10000xf32, #tpu.memory_space<vmem>>, vector<16xf32>,
    tpu.vector_store_idx %arg9[%get3A_174], %get3A_178 {add = true} : memref<4096xf32, #tpu.memory_space<vmem>>[vector<16xi32>], vector<16xf32>,
    %scan3A_179 = arith.constant 625 : i32
    %dma_wait3A_180 = arith.constant 0 : i32
    %dma_wait3A_181 = arith.constant 0 : i32
    %dma_wait3A_182 = tpu.memref_slice %arg2[%dma_wait3A_181] : memref<1600000xf32, #tpu.memory_space<hbm>> -> memref<10000xf32, #tpu.memory_space<hbm>>
    %dma_wait3A_183 = tpu.memref_slice %arg10[%dma_wait3A_180] : memref<4x!tpu.dma_semaphore, #tpu.memory_space<semaphore_mem>> -> memref<1x!tpu.dma_semaphore, #tpu.memory_space<semaphore_mem>>
    %dma_wait3A_184 = tpu.memref_squeeze %dma_wait3A_183 : memref<1x!tpu.dma_semaphore, #tpu.memory_space<semaphore_mem>> -> memref<!tpu.dma_semaphore, #tpu.memory_space<semaphore_mem>>
    %dma_wait3A_185 = arith.constant 0 : i32
    %dma_wait3A_186 = tpu.memref_slice %arg2[%dma_wait3A_185] : memref<1600000xf32, #tpu.memory_space<hbm>> -> memref<10000xf32, #tpu.memory_space<hbm>>
    tpu.wait_dma2 semaphore(%dma_wait3A_184 : memref<!tpu.dma_semaphore, #tpu.memory_space<semaphore_mem>>) src(%dma_wait3A_186 : memref<10000xf32, #tpu.memory_space<hbm>>) dst(%arg5 : memref<10000xf32, #tpu.memory_space<vmem>>)
    %dma_wait3A_187 = arith.constant 1 : i32
    %dma_wait3A_188 = arith.constant 0 : i32
    %dma_wait3A_189 = tpu.memref_slice %arg3[%dma_wait3A_188] : memref<1600000xi32, #tpu.memory_space<hbm>> -> memref<10000xi32, #tpu.memory_space<hbm>>
    %dma_wait3A_190 = tpu.memref_slice %arg10[%dma_wait3A_187] : memref<4x!tpu.dma_semaphore, #tpu.memory_space<semaphore_mem>> -> memref<1x!tpu.dma_semaphore, #tpu.memory_space<semaphore_mem>>
    %dma_wait3A_191 = tpu.memref_squeeze %dma_wait3A_190 : memref<1x!tpu.dma_semaphore, #tpu.memory_space<semaphore_mem>> -> memref<!tpu.dma_semaphore, #tpu.memory_space<semaphore_mem>>
    %dma_wait3A_192 = arith.constant 0 : i32
    %dma_wait3A_193 = tpu.memref_slice %arg3[%dma_wait3A_192] : memref<1600000xi32, #tpu.memory_space<hbm>> -> memref<10000xi32, #tpu.memory_space<hbm>>
    tpu.wait_dma2 semaphore(%dma_wait3A_191 : memref<!tpu.dma_semaphore, #tpu.memory_space<semaphore_mem>>) src(%dma_wait3A_193 : memref<10000xi32, #tpu.memory_space<hbm>>) dst(%arg6 : memref<10000xi32, #tpu.memory_space<vmem>>)
    %scan3A_194 = arith.constant 0 : i32
    %scan3A_195 = arith.constant 624 : i32
    %scan3A_196 = arith.addi %scan3A_194, %scan3A_195 : i32
    %scan3A_197 = arith.constant 8 : i32
    scf.for %scan3A_209 = %scan3A_194 to %scan3A_196 step %scan3A_197  : i32 {
      %mul3A_210 = arith.constant 16 : i32
      %mul3A_211 = arith.muli %scan3A_209, %mul3A_210 : i32
      %get3A_212 = arith.index_cast %mul3A_211 : i32 to index
      %get3A_213 = tpu.vector_load %arg6[%get3A_212] {strides = array<i32>} : memref<10000xi32, #tpu.memory_space<vmem>>, vector<16xi32>,
      %mul3A_214 = arith.constant 16 : i32
      %mul3A_215 = arith.muli %scan3A_209, %mul3A_214 : i32
      %get3A_216 = arith.index_cast %mul3A_215 : i32 to index
      %get3A_217 = tpu.vector_load %arg5[%get3A_216] {strides = array<i32>} : memref<10000xf32, #tpu.memory_space<vmem>>, vector<16xf32>,
      tpu.vector_store_idx %arg9[%get3A_213], %get3A_217 {add = true} : memref<4096xf32, #tpu.memory_space<vmem>>[vector<16xi32>], vector<16xf32>,
      %scan3A_218 = arith.constant 1 : i32
      %scan3A_219 = arith.addi %scan3A_209, %scan3A_218 : i32
      %mul3A_220 = arith.constant 16 : i32
      %mul3A_221 = arith.muli %scan3A_219, %mul3A_220 : i32
      %get3A_222 = arith.index_cast %mul3A_221 : i32 to index
      %get3A_223 = tpu.vector_load %arg6[%get3A_222] {strides = array<i32>} : memref<10000xi32, #tpu.memory_space<vmem>>, vector<16xi32>,
      %mul3A_224 = arith.constant 16 : i32
      %mul3A_225 = arith.muli %scan3A_219, %mul3A_224 : i32
      %get3A_226 = arith.index_cast %mul3A_225 : i32 to index
      %get3A_227 = tpu.vector_load %arg5[%get3A_226] {strides = array<i32>} : memref<10000xf32, #tpu.memory_space<vmem>>, vector<16xf32>,
      tpu.vector_store_idx %arg9[%get3A_223], %get3A_227 {add = true} : memref<4096xf32, #tpu.memory_space<vmem>>[vector<16xi32>], vector<16xf32>,
      %scan3A_228 = arith.constant 2 : i32
      %scan3A_229 = arith.addi %scan3A_209, %scan3A_228 : i32
      %mul3A_230 = arith.constant 16 : i32
      %mul3A_231 = arith.muli %scan3A_229, %mul3A_230 : i32
      %get3A_232 = arith.index_cast %mul3A_231 : i32 to index
      %get3A_233 = tpu.vector_load %arg6[%get3A_232] {strides = array<i32>} : memref<10000xi32, #tpu.memory_space<vmem>>, vector<16xi32>,
      %mul3A_234 = arith.constant 16 : i32
      %mul3A_235 = arith.muli %scan3A_229, %mul3A_234 : i32
      %get3A_236 = arith.index_cast %mul3A_235 : i32 to index
      %get3A_237 = tpu.vector_load %arg5[%get3A_236] {strides = array<i32>} : memref<10000xf32, #tpu.memory_space<vmem>>, vector<16xf32>,
      tpu.vector_store_idx %arg9[%get3A_233], %get3A_237 {add = true} : memref<4096xf32, #tpu.memory_space<vmem>>[vector<16xi32>], vector<16xf32>,
      %scan3A_238 = arith.constant 3 : i32
      %scan3A_239 = arith.addi %scan3A_209, %scan3A_238 : i32
      %mul3A_240 = arith.constant 16 : i32
      %mul3A_241 = arith.muli %scan3A_239, %mul3A_240 : i32
      %get3A_242 = arith.index_cast %mul3A_241 : i32 to index
      %get3A_243 = tpu.vector_load %arg6[%get3A_242] {strides = array<i32>} : memref<10000xi32, #tpu.memory_space<vmem>>, vector<16xi32>,
      %mul3A_244 = arith.constant 16 : i32
      %mul3A_245 = arith.muli %scan3A_239, %mul3A_244 : i32
      %get3A_246 = arith.index_cast %mul3A_245 : i32 to index
      %get3A_247 = tpu.vector_load %arg5[%get3A_246] {strides = array<i32>} : memref<10000xf32, #tpu.memory_space<vmem>>, vector<16xf32>,
      tpu.vector_store_idx %arg9[%get3A_243], %get3A_247 {add = true} : memref<4096xf32, #tpu.memory_space<vmem>>[vector<16xi32>], vector<16xf32>,
      %scan3A_248 = arith.constant 4 : i32
      %scan3A_249 = arith.addi %scan3A_209, %scan3A_248 : i32
      %mul3A_250 = arith.constant 16 : i32
      %mul3A_251 = arith.muli %scan3A_249, %mul3A_250 : i32
      %get3A_252 = arith.index_cast %mul3A_251 : i32 to index
      %get3A_253 = tpu.vector_load %arg6[%get3A_252] {strides = array<i32>} : memref<10000xi32, #tpu.memory_space<vmem>>, vector<16xi32>,
      %mul3A_254 = arith.constant 16 : i32
      %mul3A_255 = arith.muli %scan3A_249, %mul3A_254 : i32
      %get3A_256 = arith.index_cast %mul3A_255 : i32 to index
      %get3A_257 = tpu.vector_load %arg5[%get3A_256] {strides = array<i32>} : memref<10000xf32, #tpu.memory_space<vmem>>, vector<16xf32>,
      tpu.vector_store_idx %arg9[%get3A_253], %get3A_257 {add = true} : memref<4096xf32, #tpu.memory_space<vmem>>[vector<16xi32>], vector<16xf32>,
      %scan3A_258 = arith.constant 5 : i32
      %scan3A_259 = arith.addi %scan3A_209, %scan3A_258 : i32
      %mul3A_260 = arith.constant 16 : i32
      %mul3A_261 = arith.muli %scan3A_259, %mul3A_260 : i32
      %get3A_262 = arith.index_cast %mul3A_261 : i32 to index
      %get3A_263 = tpu.vector_load %arg6[%get3A_262] {strides = array<i32>} : memref<10000xi32, #tpu.memory_space<vmem>>, vector<16xi32>,
      %mul3A_264 = arith.constant 16 : i32
      %mul3A_265 = arith.muli %scan3A_259, %mul3A_264 : i32
      %get3A_266 = arith.index_cast %mul3A_265 : i32 to index
      %get3A_267 = tpu.vector_load %arg5[%get3A_266] {strides = array<i32>} : memref<10000xf32, #tpu.memory_space<vmem>>, vector<16xf32>,
      tpu.vector_store_idx %arg9[%get3A_263], %get3A_267 {add = true} : memref<4096xf32, #tpu.memory_space<vmem>>[vector<16xi32>], vector<16xf32>,
      %scan3A_268 = arith.constant 6 : i32
      %scan3A_269 = arith.addi %scan3A_209, %scan3A_268 : i32
      %mul3A_270 = arith.constant 16 : i32
      %mul3A_271 = arith.muli %scan3A_269, %mul3A_270 : i32
      %get3A_272 = arith.index_cast %mul3A_271 : i32 to index
      %get3A_273 = tpu.vector_load %arg6[%get3A_272] {strides = array<i32>} : memref<10000xi32, #tpu.memory_space<vmem>>, vector<16xi32>,
      %mul3A_274 = arith.constant 16 : i32
      %mul3A_275 = arith.muli %scan3A_269, %mul3A_274 : i32
      %get3A_276 = arith.index_cast %mul3A_275 : i32 to index
      %get3A_277 = tpu.vector_load %arg5[%get3A_276] {strides = array<i32>} : memref<10000xf32, #tpu.memory_space<vmem>>, vector<16xf32>,
      tpu.vector_store_idx %arg9[%get3A_273], %get3A_277 {add = true} : memref<4096xf32, #tpu.memory_space<vmem>>[vector<16xi32>], vector<16xf32>,
      %scan3A_278 = arith.constant 7 : i32
      %scan3A_279 = arith.addi %scan3A_209, %scan3A_278 : i32
      %mul3A_280 = arith.constant 16 : i32
      %mul3A_281 = arith.muli %scan3A_279, %mul3A_280 : i32
      %get3A_282 = arith.index_cast %mul3A_281 : i32 to index
      %get3A_283 = tpu.vector_load %arg6[%get3A_282] {strides = array<i32>} : memref<10000xi32, #tpu.memory_space<vmem>>, vector<16xi32>,
      %mul3A_284 = arith.constant 16 : i32
      %mul3A_285 = arith.muli %scan3A_279, %mul3A_284 : i32
      %get3A_286 = arith.index_cast %mul3A_285 : i32 to index
      %get3A_287 = tpu.vector_load %arg5[%get3A_286] {strides = array<i32>} : memref<10000xf32, #tpu.memory_space<vmem>>, vector<16xf32>,
      tpu.vector_store_idx %arg9[%get3A_283], %get3A_287 {add = true} : memref<4096xf32, #tpu.memory_space<vmem>>[vector<16xi32>], vector<16xf32>,
    }
    %scan3A_198 = arith.constant 624 : i32
    %scan3A_199 = arith.addi %scan3A_194, %scan3A_198 : i32
    %mul3A_200 = arith.constant 16 : i32
    %mul3A_201 = arith.muli %scan3A_199, %mul3A_200 : i32
    %get3A_202 = arith.index_cast %mul3A_201 : i32 to index
    %get3A_203 = tpu.vector_load %arg6[%get3A_202] {strides = array<i32>} : memref<10000xi32, #tpu.memory_space<vmem>>, vector<16xi32>,
    %mul3A_204 = arith.constant 16 : i32
    %mul3A_205 = arith.muli %scan3A_199, %mul3A_204 : i32
    %get3A_206 = arith.index_cast %mul3A_205 : i32 to index
    %get3A_207 = tpu.vector_load %arg5[%get3A_206] {strides = array<i32>} : memref<10000xf32, #tpu.memory_space<vmem>>, vector<16xf32>,
    tpu.vector_store_idx %arg9[%get3A_203], %get3A_207 {add = true} : memref<4096xf32, #tpu.memory_space<vmem>>[vector<16xi32>], vector<16xf32>,
    %scan3A_208 = arith.constant 625 : i32
    "tpu.region"() ({
      %run_scoped3A = tpu.sem_alloc : memref<!tpu.dma_semaphore, #tpu.memory_space<semaphore_mem>>
      %dma_start3A_209 = arith.constant 0 : i32
      %dma_start3A_210 = tpu.memref_slice %arg4[%add3A, %dma_start3A_209] : memref<32x4096xf32, #tpu.memory_space<hbm>> -> memref<1x4096xf32, #tpu.memory_space<hbm>>
      %dma_start3A_211 = tpu.memref_squeeze %dma_start3A_210 : memref<1x4096xf32, #tpu.memory_space<hbm>> -> memref<4096xf32, #tpu.memory_space<hbm>>
      %dma_start3A_212 = arith.constant 0 : i32
      %dma_start3A_213 = tpu.memref_slice %arg4[%add3A, %dma_start3A_212] : memref<32x4096xf32, #tpu.memory_space<hbm>> -> memref<1x4096xf32, #tpu.memory_space<hbm>>
      %dma_start3A_214 = tpu.memref_squeeze %dma_start3A_213 : memref<1x4096xf32, #tpu.memory_space<hbm>> -> memref<4096xf32, #tpu.memory_space<hbm>>
      tpu.enqueue_dma source(%arg9 : memref<4096xf32, #tpu.memory_space<vmem>>) target(%dma_start3A_214 : memref<4096xf32, #tpu.memory_space<hbm>>) target_semaphore(%run_scoped3A : memref<!tpu.dma_semaphore, #tpu.memory_space<semaphore_mem>>)
      %dma_wait3A_215 = arith.constant 0 : i32
      %dma_wait3A_216 = tpu.memref_slice %arg4[%add3A, %dma_wait3A_215] : memref<32x4096xf32, #tpu.memory_space<hbm>> -> memref<1x4096xf32, #tpu.memory_space<hbm>>
      %dma_wait3A_217 = tpu.memref_squeeze %dma_wait3A_216 : memref<1x4096xf32, #tpu.memory_space<hbm>> -> memref<4096xf32, #tpu.memory_space<hbm>>
      %dma_wait3A_218 = arith.constant 0 : i32
      %dma_wait3A_219 = tpu.memref_slice %arg4[%add3A, %dma_wait3A_218] : memref<32x4096xf32, #tpu.memory_space<hbm>> -> memref<1x4096xf32, #tpu.memory_space<hbm>>
      %dma_wait3A_220 = tpu.memref_squeeze %dma_wait3A_219 : memref<1x4096xf32, #tpu.memory_space<hbm>> -> memref<4096xf32, #tpu.memory_space<hbm>>
      tpu.wait_dma2 semaphore(%run_scoped3A : memref<!tpu.dma_semaphore, #tpu.memory_space<semaphore_mem>>) src(%arg9 : memref<4096xf32, #tpu.memory_space<vmem>>) dst(%dma_wait3A_220 : memref<4096xf32, #tpu.memory_space<hbm>>)
      tpu.yield
    }) : () -> ()
    return
  }
}

module attributes {stable_mosaic.version = 14 : i64} {
  func.func @_mlp_body(%arg0: i32, %arg1: memref<3x16384xf32, #tpu.memory_space<vmem>>, %arg2: memref<32x3xf32, #tpu.memory_space<vmem>>, %arg3: memref<32xf32, #tpu.memory_space<vmem>>, %arg4: memref<32x1xf32, #tpu.memory_space<vmem>>, %arg5: memref<1xf32, #tpu.memory_space<vmem>>, %arg6: memref<16384xf32, #tpu.memory_space<vmem>>) attributes {dimension_semantics = [#tpu.dimension_semantics<arbitrary>], iteration_bounds = array<i64: 98>, scalar_prefetch = 0 : i64, scratch_operands = 0 : i64, tpu.core_type = #tpu.core_type<tc>, window_params = [{transform_indices = @transform_0, window_bounds = array<i64: 3, 16384>}, {pipeline_mode = #tpu.pipeline_mode<synchronous>, transform_indices = @transform_1, window_bounds = array<i64: 32, 3>}, {pipeline_mode = #tpu.pipeline_mode<synchronous>, transform_indices = @transform_2, window_bounds = array<i64: 32>}, {pipeline_mode = #tpu.pipeline_mode<synchronous>, transform_indices = @transform_3, window_bounds = array<i64: 32, 1>}, {pipeline_mode = #tpu.pipeline_mode<synchronous>, transform_indices = @transform_4, window_bounds = array<i64: 1>}, {transform_indices = @transform_5, window_bounds = array<i64: 16384>}]} {
    %get3A = arith.constant 0 : index
    %get3A_0 = arith.constant 0 : index
    %get3A_1 = vector.load %arg1[%get3A, %get3A_0] : memref<3x16384xf32, #tpu.memory_space<vmem>>, vector<3x16384xf32>
    %get3A_2 = arith.constant 0 : index
    %get3A_3 = arith.constant 0 : index
    %get3A_4 = vector.load %arg2[%get3A_2, %get3A_3] : memref<32x3xf32, #tpu.memory_space<vmem>>, vector<32x3xf32>
    %dot_general3A = arith.constant dense<0.000000e+00> : vector<32x16384xf32>
    %dot_general3A_5 = tpu.matmul %get3A_4, %get3A_1, %dot_general3A {dimension_numbers = #tpu.dot_dimension_numbers<[1], [0], [0], [1], [0, 0, 1, 1], [], []>, transpose_lhs_hint = false} : vector<32x3xf32>, vector<3x16384xf32>, vector<32x16384xf32> -> vector<32x16384xf32>
    %get3A_6 = arith.constant 0 : index
    %get3A_7 = vector.load %arg3[%get3A_6] : memref<32xf32, #tpu.memory_space<vmem>>, vector<32xf32>
    %reshape3A = vector.shape_cast %get3A_7 : vector<32xf32> to vector<32x1xf32>
    %add3A = vector.broadcast %reshape3A : vector<32x1xf32> to vector<32x16384xf32>
    %add3A_8 = arith.addf %dot_general3A_5, %add3A : vector<32x16384xf32>
    %tanh3A = math.tanh %add3A_8 : vector<32x16384xf32>
    %mul3A = arith.mulf %add3A_8, %tanh3A : vector<32x16384xf32>
    %add3A_9 = arith.addf %add3A_8, %mul3A : vector<32x16384xf32>
    %get3A_10 = arith.constant 0 : index
    %get3A_11 = arith.constant 0 : index
    %get3A_12 = vector.load %arg4[%get3A_10, %get3A_11] : memref<32x1xf32, #tpu.memory_space<vmem>>, vector<32x1xf32>
    %mul3A_13 = vector.broadcast %get3A_12 : vector<32x1xf32> to vector<32x16384xf32>
    %mul3A_14 = arith.mulf %add3A_9, %mul3A_13 : vector<32x16384xf32>
    %reduce_sum3A = arith.constant dense<0.000000e+00> : vector<16384xf32>
    %reduce_sum3A_15 = vector.multi_reduction <add>, %mul3A_14, %reduce_sum3A [0] : vector<32x16384xf32> to vector<16384xf32>
    %get3A_16 = arith.constant 0 : index
    %get3A_17 = vector.load %arg5[%get3A_16] : memref<1xf32, #tpu.memory_space<vmem>>, vector<1xf32>
    %add3A_18 = vector.broadcast %get3A_17 : vector<1xf32> to vector<16384xf32>
    %add3A_19 = arith.addf %reduce_sum3A_15, %add3A_18 : vector<16384xf32>
    %swap3A = arith.constant 0 : index
    %swap3A_20 = vector.load %arg6[%swap3A] : memref<16384xf32, #tpu.memory_space<vmem>>, vector<16384xf32>
    tpu.vector_store %arg6[%swap3A], %add3A_19 {strides = array<i32>} : memref<16384xf32, #tpu.memory_space<vmem>>, vector<16384xf32>,
    return
  }
  func.func @transform_0(%arg0: i32) -> (i32, i32) {
    %c0_i32 = arith.constant 0 : i32
    %c0_i32_0 = arith.constant 0 : i32
    return %c0_i32, %arg0 : i32, i32
  }
  func.func @transform_1(%arg0: i32) -> (i32, i32) {
    %c0_i32 = arith.constant 0 : i32
    %c0_i32_0 = arith.constant 0 : i32
    %c0_i32_1 = arith.constant 0 : i32
    return %c0_i32, %c0_i32_0 : i32, i32
  }
  func.func @transform_2(%arg0: i32) -> i32 {
    %c0_i32 = arith.constant 0 : i32
    %c0_i32_0 = arith.constant 0 : i32
    return %c0_i32 : i32
  }
  func.func @transform_3(%arg0: i32) -> (i32, i32) {
    %c0_i32 = arith.constant 0 : i32
    %c0_i32_0 = arith.constant 0 : i32
    %c0_i32_1 = arith.constant 0 : i32
    return %c0_i32, %c0_i32_0 : i32, i32
  }
  func.func @transform_4(%arg0: i32) -> i32 {
    %c0_i32 = arith.constant 0 : i32
    %c0_i32_0 = arith.constant 0 : i32
    return %c0_i32 : i32
  }
  func.func @transform_5(%arg0: i32) -> i32 {
    %c0_i32 = arith.constant 0 : i32
    return %arg0 : i32
  }
}

module attributes {stable_mosaic.version = 14 : i64} {
  func.func @_comb_body(%arg0: memref<32x32x128xf32, #tpu.memory_space<vmem>>, %arg1: memref<32x128xf32, #tpu.memory_space<vmem>>) attributes {dimension_semantics = [], scalar_prefetch = 0 : i64, scratch_operands = 0 : i64, tpu.core_type = #tpu.core_type<tc>} {
    %get3A = arith.constant 0 : index
    %get3A_0 = arith.constant 0 : index
    %get3A_1 = arith.constant 0 : index
    %get3A_2 = vector.load %arg0[%get3A, %get3A_0, %get3A_1] : memref<32x32x128xf32, #tpu.memory_space<vmem>>, vector<32x32x128xf32>
    %reduce_sum3A = arith.constant dense<0.000000e+00> : vector<32x128xf32>
    %reduce_sum3A_3 = vector.multi_reduction <add>, %get3A_2, %reduce_sum3A [0] : vector<32x32x128xf32> to vector<32x128xf32>
    %swap3A = arith.constant 0 : index
    %swap3A_4 = arith.constant 0 : index
    %swap3A_5 = vector.load %arg1[%swap3A, %swap3A_4] : memref<32x128xf32, #tpu.memory_space<vmem>>, vector<32x128xf32>
    tpu.vector_store %arg1[%swap3A, %swap3A_4], %reduce_sum3A_3 {strides = array<i32>} : memref<32x128xf32, #tpu.memory_space<vmem>>, vector<32x128xf32>,
    return
  }
}

</mosaic_0001>

<sc_bundles>
// kernel: kernel.5.cloned.1.call-start
scs
__scs_entry_jumppad:
0x0: {  	(pc) =	sbr.rel $0x88, $3  }
0x1: {  	(tag) =	ssettag $0x0;
	lr =	simm.s32 $0x1  }
0x2: {  	[smem:$0x3F9B] =	sst lr;
	_ =	strace $0xD0000000  }
0x3: {  	_ = 	snop  }
0x4: {  	_ = 	snop  }
0x5: {  	_ = 	snop  }
0x6: {  	_ = 	snop  }
0x7: {  	_ = 	snop  }
__scs_overlays_trampoline_lowered:
0x8: {  	[smem:$0x3FAA] =	sst s0  }
0x9: {  	[smem:$0x3FAB] =	sst s1  }
0xa: {  	[smem:$0x3FAC] =	sst s2  }
0xb: {  	[smem:$0x3FAD] =	sst s3  }
0xc: {  	[smem:$0x3FAE] =	sst s4  }
0xd: {  	[smem:$0x3FAF] =	sst s5  }
0xe: {  	[smem:$0x3FB0] =	sst s6  }
0xf: {  	[smem:$0x3FB1] =	sst s7  }
0x10: {  	[smem:$0x3FB2] =	sst s8  }
0x11: {  	[smem:$0x3FB3] =	sst s9;
	s0 =	simm.s32 @!p0 $0x0  }
0x12: {  	s1 =	sld [smem:$0x3F99];
	s0 =	simm.s32 @p0 $0x1  }
0x13: {  	[smem:$0x3FB4] =	sst s0;
	s0 =	simm.s32 @!p1 $0x0  }
0x14: {  	s2 =	sld [smem:$0x3F98];
	s0 =	simm.s32 @p1 $0x1  }
0x15: {  	[smem:$0x3FB5] =	sst s0;
	s0 =	simm.s32 @!p2 $0x0  }
0x16: {  	s3 =	sld [smem:$0x3FDB];
	s0 =	simm.s32 @p2 $0x1  }
0x17: {  	s4 =	simm.s32 $0x1BF5;
	[smem:$0x3FB7] =	sst s0  }
0x18: {  	s0 =	sld [smem:$0x3F9A];
	_ =	swait.ge [sflag:s4], $0x0  }
0x19: {  	s7 =	sld [smem:$0x3F9B]  }
0x1a: {  	s8 =	sadd.s32 $0xFFFFE003, lr  }
0x1b: {  	s9 =	sadd.s32 $0xFFFFFEF7, lr;
	s5 =	simm.s32 $0xFFFFFFFF;
	p2 =	slt.u32 s8, $0xFFFFF086  }
0x1c: {  	p1 =	slt.u32 s9, $0xF7A;
	s5 =	simm.s32 @!p2 $0x0  }
0x1d: {  	s5 =	simm.s32 @p1 $0x1;
	p0 =	seq.s32 s7, s2  }
0x1e: {  	s7 =	smul.u32 @!p0 $0xF7A, s2;
	p2 =	seq.s32 @!p0 s5, $0x0  }
0x1f: {  	s9 =	smul.u32 $0xF7A, s1;
	s8 =	simm.s32 @!p0 $0x1BF5;
	p2 =	por !p2, p0  }
0x20: {  	[sflag:s8] =	ssyncset.s32 @!p0 $0xFFFFF086;
	s6 =	sadd.s32 @!p0 s3, s7;
	s7 =	simm.s32 @!p0 $0x108  }
0x21: {  	s3 =	sadd.s32 s3, s9;
	s6 =	sadd.s32 @!p0 $0x88, s6;
	s7 =	simm.s32 @p2 $0x1082  }
0x22: {  	[simem:s7], [sflag:s8] =	dma.local @!p0 [hbm:s6], $0xF7A  }
0x23: {  	s9 =	sor.u32 $0xD0000000, s2;
	s6 =	simm.s32 $0x108;
	_ =	swait.ge @!p0 [sflag:s8], $0x0  }
0x24: {  	s3 =	sadd.s32 $0x88, s3;
	s6 =	simm.s32 @!p1 $0x1082;
	[sflag:s4] =	ssyncset.s32 $0xFFFFF086  }
0x25: {  	[simem:s6], [sflag:s4] =	dma.local [hbm:s3], $0xF7A  }
0x26: {  	[smem:$0x3F9B] =	sst s1;
	(tag) =	ssettag s2;
	_ =	strace s9  }
0x27: {  	s1 =	sld [smem:$0x3FAB]  }
0x28: {  	s2 =	sld [smem:$0x3FAC]  }
0x29: {  	s4 =	sld [smem:$0x3FAE]  }
0x2a: {  	p0 =	seq.s32 s5, $0x0;
	s5 =	sld [smem:$0x3FAF]  }
0x2b: {  	s6 =	sld [smem:$0x3FB0]  }
0x2c: {  	s7 =	sld [smem:$0x3FB1]  }
0x2d: {  	s3 =	simm.s32 $0x108;
	s8 =	sld [smem:$0x3FB2]  }
0x2e: {  	s3 =	simm.s32 @!p0 $0x1082;
	s9 =	sld [smem:$0x3FB3]  }
0x2f: {  	lr =	sadd.s32 s0, s3;
	s0 =	sld [smem:$0x3FAA]  }
0x30: {  	s3 =	sld [smem:$0x3FAD]  }
0x31: {  	[smem:$0x3FB6] =	sst s10  }
0x32: {  	s10 =	sld [smem:$0x3FB4];
	_ =	sdelay $0x3  }
0x33: {  	p0 =	seq.s32 s10, $0x1;
	s10 =	sld [smem:$0x3FB6];
	_ =	sdelay $0x3  }
0x34: {  	[smem:$0x3FB6] =	sst s10  }
0x35: {  	s10 =	sld [smem:$0x3FB5];
	_ =	sdelay $0x3  }
0x36: {  	p1 =	seq.s32 s10, $0x1;
	s10 =	sld [smem:$0x3FB6];
	_ =	sdelay $0x3  }
0x37: {  	[smem:$0x3FB6] =	sst s10  }
0x38: {  	s10 =	sld [smem:$0x3FB7]  }
0x39: {  	_ = 	snop;
	(pc) =	sbr.ind lr, $3  }
0x3a: {  	_ = 	snop  }
0x3b: {  	_ = 	snop  }
0x3c: {  	p2 =	seq.s32 s10, $0x1;
	s10 =	sld [smem:$0x3FB6]  }
0x3d: {  	_ =	shalt  }
0x3e: {  	_ =	shalt  }
0x3f: {  	_ =	shalt  }
0x40: {  	_ =	shalt  }
0x41: {  	_ =	shalt  }
0x42: {  	_ =	shalt  }
0x43: {  	_ =	shalt  }
0x44: {  	_ =	shalt  }
0x45: {  	_ =	shalt  }
0x46: {  	_ =	shalt  }
0x47: {  	_ =	shalt  }
0x48: {  	_ =	shalt  }
0x49: {  	_ =	shalt  }
0x4a: {  	_ =	shalt  }
0x4b: {  	_ =	shalt  }
0x4c: {  	_ =	shalt  }
0x4d: {  	_ =	shalt  }
0x4e: {  	_ =	shalt  }
0x4f: {  	_ =	shalt  }
0x50: {  	_ =	shalt  }
0x51: {  	_ =	shalt  }
0x52: {  	_ =	shalt  }
0x53: {  	_ =	shalt  }
0x54: {  	_ =	shalt  }
0x55: {  	_ =	shalt  }
0x56: {  	_ =	shalt  }
0x57: {  	_ =	shalt  }
0x58: {  	_ =	shalt  }
0x59: {  	_ =	shalt  }
0x5a: {  	_ =	shalt  }
0x5b: {  	_ =	shalt  }
0x5c: {  	_ =	shalt  }
0x5d: {  	_ =	shalt  }
0x5e: {  	_ =	shalt  }
0x5f: {  	_ =	shalt  }
0x60: {  	_ =	shalt  }
0x61: {  	_ =	shalt  }
0x62: {  	_ =	shalt  }
0x63: {  	_ =	shalt  }
0x64: {  	_ =	shalt  }
0x65: {  	_ =	shalt  }
0x66: {  	_ =	shalt  }
0x67: {  	_ =	shalt  }
0x68: {  	_ =	shalt  }
0x69: {  	_ =	shalt  }
0x6a: {  	_ =	shalt  }
0x6b: {  	_ =	shalt  }
0x6c: {  	_ =	shalt  }
0x6d: {  	_ =	shalt  }
0x6e: {  	_ =	shalt  }
0x6f: {  	_ =	shalt  }
0x70: {  	_ =	shalt  }
0x71: {  	_ =	shalt  }
0x72: {  	_ =	shalt  }
0x73: {  	_ =	shalt  }
0x74: {  	_ =	shalt  }
0x75: {  	_ =	shalt  }
0x76: {  	_ =	shalt  }
0x77: {  	_ =	shalt  }
0x78: {  	_ =	shalt  }
0x79: {  	_ =	shalt  }
0x7a: {  	_ =	shalt  }
0x7b: {  	_ =	shalt  }
0x7c: {  	_ =	shalt  }
0x7d: {  	_ =	shalt  }
0x7e: {  	_ =	shalt  }
0x7f: {  	_ =	shalt  }
0x80: {  	_ =	shalt  }
0x81: {  	_ =	shalt  }
0x82: {  	_ =	shalt  }
0x83: {  	_ =	shalt  }
0x84: {  	_ =	shalt  }
0x85: {  	_ =	shalt  }
0x86: {  	_ =	shalt  }
0x87: {  	_ =	shalt  }
.Lfunc_end0:
.L_simem_size_0:
called_computation_lowered:
.L_overlay_start_0:
0x88: {  	s2 =	sld [smem:$0x3FD9]  }
0x89: {  	s3 =	sld [smem:$0x3FFE];
	_ =	sdelay $0x1  }
0x8a: {  	s1 =	srdreg.scid  }
0x8b: {  	s0 =	sand.u32 $0x1, s1  }
0x8c: {  	s17 =	sshll.u32 s0, $0xA;
	s2 =	sadd.s32 s3, s2  }
0x8d: {  	s2 =	sadd.s32 s2, s17  }
0x8e: {  	[smem:$0x3FC2] =	sst s2  }
0x8f: {  	_ = 	snop  }
0x90: {  	s2 =	sld [smem:$0x3FC8];
	(tm) =	ssettm $0x1  }
0x91: {  	s18 =	sld [smem:$0x3FFB];
	_ =	sdelay $0x3  }
0x92: {  	_ =	strace s18  }
0x93: {  	s3 =	sld [smem:$0x3FFC];
	_ =	sdelay $0x3  }
0x94: {  	_ =	strace s3  }
0x95: {  	s3 =	sld [smem:$0x3FFD];
	_ =	sdelay $0x3  }
0x96: {  	_ =	strace s3  }
0x97: {  	_ =	strace $0x8FFFFFFF  }
0x98: {  	s19 =	sld [smem:$0x3FDB];
	_ =	sdelay $0x1  }
0x99: {  	s4 =	simm.s32 $_scs_section_size  }
0x9a: {  	s5 =	simm.s32 $_size__tile_overlayer_lowered;
	s6 =	simm.s32 $_tile_overlayer_lowered  }
0x9b: {  	s22 =	simm.s32 $0x1BFF;
	s21 =	sshll.u32 s6, $0x1;
	s3 =	sadd.s32 s4, s19  }
0x9c: {  	s7 =	simm.s32 $0x0;
	s20 =	sshll.u32 s5, $0x1;
	s5 =	sadd.s32 s21, s3  }
0x9d: {  	[timem:s7], [sflag:s22] =	dma.local [hbm:s5], s20  }
0x9e: {  	_ =	swait.ge [sflag:s22], s20  }
0x9f: {  	s4 =	ssub.s32 $0x0, s20;
	[sflag:s22] =	ssyncset.done $0x0  }
0xa0: {  	[sflag:s22] =	ssyncadd.s32 s4;
	_ =	sdelay $0x1  }
0xa1: {  	s23 =	simm.s32 $0x1B8B  }
0xa2: {  	_ =	swait.ge [sflag:s23], $0x1  }
0xa3: {  	[sflag:s23] =	ssyncset.done $0x0  }
0xa4: {  	s25 =	simm.s32 $0x1B8E;
	s24 =	sld [smem:$0x3FFE];
	[sflag:s23] =	ssyncadd.s32 $0xFFFFFFFF  }
0xa5: {  	s26 =	simm.s32 $execute0_lowered;
	[smem:$0x3FD2] =	sst s25  }
0xa6: {  	s5 =	sshll.u32 s26, $0x1;
	_ =	strace $0x80000046;
	[dreg:$0x1] =	wrdreg $0xFFFFFFFF  }
0xa7: {  	s28 =	simm.s32 $_size_execute0_lowered;
	s3 =	sadd.s32 s3, s5;
	[dreg:$0x0] =	wrdreg $0x0  }
0xa8: {  	s5 =	sshll.u32 s28, $0x1;
	[dreg:$0x2] =	wrdreg s3  }
0xa9: {  	[dreg:$0x3] =	wrdreg s5  }
0xaa: {  	[dreg:$0x4] =	wrdreg $0xC0  }
0xab: {  	_ =	task [dreg:s7], $0x5FFFF  }
0xac: {  	[dreg:$0x1] =	wrdreg $0xFFFFFFFF  }
0xad: {  	[dreg:$0x0] =	wrdreg $0x60  }
0xae: {  	[dreg:$0x2] =	wrdreg s24  }
0xaf: {  	[dreg:$0x3] =	wrdreg s2  }
0xb0: {  	[dreg:$0x4] =	wrdreg $0x9  }
0xb1: {  	_ =	task.clear_ibuf [dreg:s7], $0x5FFFF;
	_ =	strace $0x90000046  }
0xb2: {  	s29 =	simm.s32 $0x9;
	_ =	strace $0x80000048  }
0xb3: {  	_ =	swait.ge [sflag:s29], $0x1  }
0xb4: {  	[sflag:s29] =	ssyncadd.s32 $0xFFFFFFFF  }
0xb5: {  	_ =	strace $0x90000048  }
0xb6: {  	_ =	sfence  }
0xb7: {  	s30 =	sld [smem:$0x0];
	_ =	sdelay $0x2  }
0xb8: {  	s31 =	sshll.u32 s1, $0xD;
	s1 =	sshrl.u32 s1, $0x2  }
0xb9: {  	s3 =	sand.u32 $0x4000, s31;
	s1 =	sadd.s32 s1, s30  }
0xba: {  	s0 =	sor.u32 s3, s0;
	s1 =	sshll.u32 s1, $0x11  }
0xbb: {  	s0 =	sor.u32 s1, s0  }
0xbc: {  	s0 =	sadd.s32 $0x8F2B, s0  }
0xbd: {  	[sflag:s0] =	ssyncadd.remote.s32 $0x1  }
0xbe: {  	_ =	sfence.sel $0xFFFF  }
0xbf: {  	[dreg:$0x0] =	wrdreg $0xFFFFFFFF;
	(pc) =	sbr.abs _section_cstart, $3  }
0xc0: {  	[dreg:$0x1] =	wrdreg $0xFFFFFFFF  }
0xc1: {  	_ =	task.clear_ibuf [dreg:s7], $0x2FFFF;
	_ =	strace $0x9FFFFFFF  }
0xc2: {  	(tm) =	ssettm $0x7FFFFFFF  }
0xc3: {  	_ =	shalt  }
tec
execute0_lowered:
.L_overlay_start_1:
0x0: {  	(tag) =	ssettag $0x1  }
0x1: {  	s3 =	rddreg [dreg:$0x0]  }
0x2: {  	s12 =	rddreg [dreg:$0x1];
	s1 =	srdreg.scid  }
0x3: {  	s0 =	rddreg [dreg:$0x2];
	s2 =	simm.s32 $0x0;
	s18 =	simm.s32 $0x1  }
0x4: {  	s19 =	simm.s32 $0x2;
	s20 =	simm.s32 $0x9E00;
	s21 =	simm.s32 $0x3  }
0x5: {  	s22 =	simm.s32 $0x4;
	s23 =	simm.s32 $0x80;
	s24 =	simm.s32 $0x400  }
0x6: {  	s25 =	simm.s32 $0x5;
	s26 =	simm.s32 $0x0;
	s4 =	sand.u32 $0x1, s1  }
0x7: {  	s1 =	stileid.u32;
	[smem:$0x7FF] =	sst s2;
	s11 =	sadd.s32 $0x600, s3  }
0x8: {  	s5 =	sshll.u32 s4, $0x4;
	_ =	strace $0x80000047;
	s6 =	sshll.u32 s1, $0x4  }
0x9: {  	s4 =	ssub.s32 $0x2, s4;
	s9 =	sor.u32 s1, s5;
	s6 =	sand.u32 $0x70, s6  }
0xa: {  	s7 =	sshrl.u32 s4, $0x1;
	s5 =	smul.u32 $0xC350, s9;
	s16 =	sshll.u32 s9, $0x9  }
0xb: {  	s13 =	sadd.s32 s6, s3;
	s14 =	ssub.s32 s4, s7;
	s16 =	sand.u32 $0x3000, s16  }
0xc: {  	s14 =	smax.u32 s14, $0x1;
	s10 =	sshrl.u32 s5, $0x3;
	s13 =	sadd.s32 s16, s13  }
0xd: {  	s16 =	simm.s32 $0x4F00;
	s3 =	sadd.s32 s11, s10;
	s4 =	sadd.s32 s12, s10  }
0xe: {  	s31 =	sadd.s32 $0x4E2, s10;
	s8 =	sadd.s32 $0x9C4, s10;
	s15 =	sadd.s32 $0xEA6, s10  }
0xf: {  	s17 =	sadd.s32 $0x1388, s10;
	s13 =	sadd.s32 $0x31400, s13;
	s5 =	sadd.s32 s11, s31  }
0x10: {  	s6 =	sadd.s32 s12, s31;
	s7 =	sadd.s32 s11, s8;
	s8 =	sadd.s32 s12, s8  }
0x11: {  	s9 =	sadd.s32 s11, s15;
	s10 =	sadd.s32 s12, s15;
	s11 =	sadd.s32 s11, s17  }
0x12: {  	v0 =	vimm.f32 $0.0e+00;
	s12 =	sadd.s32 s12, s17;
	s15 =	simm.s32 $0x2780;
	s17 =	simm.s32 $0x7680  }
.LBB2_1:
0x13: {  	[tilespmem:s2], [sflag:$0x1] =	stream.linear.gather [hbm4b:s3+s2], $0x2710, $0x38;
	[tilespmem:$0xAE00] =	vst v63  }
0x14: {  	_ = 	snop  }
0x15: {  	[tilespmem:s15], [sflag:$0x2] =	stream.linear.gather [hbm4b:s4+s2], $0x2710, $0x38;
	[tilespmem:$0xAE00] =	vst v63  }
0x16: {  	_ = 	snop  }
0x17: {  	[tilespmem:s16], [sflag:$0x3] =	stream.linear.gather [hbm4b:s5+s2], $0x2710, $0x38;
	[tilespmem:$0xAE00] =	vst v63  }
0x18: {  	s28 =	simm.s32 $0x9E40  }
0x19: {  	[tilespmem:s17], [sflag:$0x4] =	stream.linear.gather [hbm4b:s6+s2], $0x2710, $0x38;
	[tilespmem:$0xAE00] =	vst v63  }
0x1a: {  	[tilespmem:s28+$0xFFFFFFC0] =	vst v0  }
0x1b: {  	[tilespmem:s28+$0x30] =	vst v0  }
0x1c: {  	[tilespmem:s28+$0x20] =	vst v0  }
0x1d: {  	[tilespmem:s28+$0x10] =	vst v0  }
0x1e: {  	[tilespmem:s28+$0x0] =	vst v0  }
0x1f: {  	[tilespmem:s28+$0xFFFFFFF0] =	vst v0  }
0x20: {  	s29 =	simm.s32 $0x0;
	[tilespmem:s28+$0xFFFFFFE0] =	vst v0  }
.LBB2_2:
0x21: {  	s29 =	sadd.s32 $0x8, s29;
	[tilespmem:s28+$0xFFFFFFD0] =	vst v0;
	s28 =	sadd.s32 $0x80, s28  }
0x22: {  	[tilespmem:s28+$0xFFFFFFC0] =	vst v0;
	p0 =	slt.u32 s29, $0xF8  }
0x23: {  	[tilespmem:s28+$0x30] =	vst v0  }
.Ltmp0:
0x24: {  	[tilespmem:s28+$0x20] =	vst v0;
	(pc) =	sbr.rel @p0 .LBB2_2-.Ltmp0, $4  }
0x25: {  	[tilespmem:s28+$0x10] =	vst v0  }
0x26: {  	[tilespmem:s28+$0x0] =	vst v0  }
0x27: {  	[tilespmem:s28+$0xFFFFFFF0] =	vst v0  }
0x28: {  	[tilespmem:s28+$0xFFFFFFE0] =	vst v0  }
0x29: {  	[tilespmem:s28+$0xFFFFFFD0] =	vst v0  }
0x2a: {  	_ =	swait.ge [sflag:s18], $0x2710  }
0x2b: {  	[sflag:s18] =	ssyncset.done $0x0  }
0x2c: {  	[sflag:s18] =	ssyncadd.s32 $0xFFFFD8F0  }
0x2d: {  	_ =	swait.ge [sflag:s19], $0x2710  }
0x2e: {  	s28 =	simm.s32 $0xFFFFFFF8;
	[sflag:s19] =	ssyncset.done $0x0  }
0x2f: {  	s29 =	simm.s32 $0x27C0;
	s30 =	simm.s32 $0x40;
	[sflag:s19] =	ssyncadd.s32 $0xFFFFD8F0  }
.LBB2_4:
0x30: {  	v1 =	vld [tilespmem:s29+$0xFFFFFFC0];
	_ =	sdelay $0x2  }
0x31: {  	v2 =	vld [tilespmem:s30+$0xFFFFFFC0];
	_ =	sdelay $0x4  }
0x32: {  	[tilespmem:v1+s20+$0x0] =	vst.idx.add.f32.msk $0xffff, v2  }
0x33: {  	v1 =	vld [tilespmem:s29+$0xFFFFFFD0];
	_ =	sdelay $0x2  }
0x34: {  	v2 =	vld [tilespmem:s30+$0xFFFFFFD0];
	_ =	sdelay $0x4  }
0x35: {  	[tilespmem:v1+s20+$0x0] =	vst.idx.add.f32.msk $0xffff, v2  }
0x36: {  	v1 =	vld [tilespmem:s29+$0xFFFFFFE0];
	_ =	sdelay $0x2  }
0x37: {  	v2 =	vld [tilespmem:s30+$0xFFFFFFE0];
	_ =	sdelay $0x4  }
0x38: {  	[tilespmem:v1+s20+$0x0] =	vst.idx.add.f32.msk $0xffff, v2  }
0x39: {  	v1 =	vld [tilespmem:s29+$0xFFFFFFF0];
	_ =	sdelay $0x2  }
0x3a: {  	v2 =	vld [tilespmem:s30+$0xFFFFFFF0];
	_ =	sdelay $0x4  }
0x3b: {  	[tilespmem:v1+s20+$0x0] =	vst.idx.add.f32.msk $0xffff, v2  }
0x3c: {  	v1 =	vld [tilespmem:s29+$0x0];
	_ =	sdelay $0x2  }
0x3d: {  	v2 =	vld [tilespmem:s30+$0x0];
	_ =	sdelay $0x4  }
0x3e: {  	[tilespmem:v1+s20+$0x0] =	vst.idx.add.f32.msk $0xffff, v2  }
0x3f: {  	v1 =	vld [tilespmem:s29+$0x10];
	_ =	sdelay $0x2  }
0x40: {  	v2 =	vld [tilespmem:s30+$0x10];
	_ =	sdelay $0x4  }
0x41: {  	[tilespmem:v1+s20+$0x0] =	vst.idx.add.f32.msk $0xffff, v2  }
0x42: {  	v1 =	vld [tilespmem:s29+$0x20];
	_ =	sdelay $0x2  }
0x43: {  	v2 =	vld [tilespmem:s30+$0x20];
	_ =	sdelay $0x4  }
0x44: {  	[tilespmem:v1+s20+$0x0] =	vst.idx.add.f32.msk $0xffff, v2  }
0x45: {  	v1 =	vld [tilespmem:s29+$0x30];
	_ =	sdelay $0x1  }
0x46: {  	s28 =	sadd.s32 $0x8, s28  }
0x47: {  	p0 =	slt.u32 s28, $0x268;
	v2 =	vld [tilespmem:s30+$0x30]  }
.Ltmp1:
0x48: {  	_ = 	snop;
	(pc) =	sbr.rel @p0 .LBB2_4-.Ltmp1, $2  }
0x49: {  	_ =	sdelay $0x2  }
0x4a: {  	s29 =	sadd.s32 $0x80, s29;
	s30 =	sadd.s32 $0x80, s30;
	[tilespmem:v1+s20+$0x0] =	vst.idx.add.f32.msk $0xffff, v2  }
0x4b: {  	v1 =	vld [tilespmem:$0x4E80];
	_ =	sdelay $0x2  }
0x4c: {  	v2 =	vld [tilespmem:$0x2700];
	_ =	sdelay $0x4  }
0x4d: {  	[tilespmem:v1+s20+$0x0] =	vst.idx.add.f32.msk $0xffff, v2  }
0x4e: {  	[tilespmem:s2], [sflag:$0x1] =	stream.linear.gather [hbm4b:s7+s2], $0x2710, $0x38;
	[tilespmem:$0xAE00] =	vst v63  }
0x4f: {  	_ = 	snop  }
0x50: {  	[tilespmem:s15], [sflag:$0x2] =	stream.linear.gather [hbm4b:s8+s2], $0x2710, $0x38;
	[tilespmem:$0xAE00] =	vst v63  }
0x51: {  	_ =	swait.ge [sflag:s21], $0x2710  }
0x52: {  	[sflag:s21] =	ssyncset.done $0x0  }
0x53: {  	[sflag:s21] =	ssyncadd.s32 $0xFFFFD8F0  }
0x54: {  	_ =	swait.ge [sflag:s22], $0x2710  }
0x55: {  	s28 =	simm.s32 $0xFFFFFFF8;
	[sflag:s22] =	ssyncset.done $0x0  }
0x56: {  	s29 =	simm.s32 $0x76C0;
	s30 =	simm.s32 $0x4F40;
	[sflag:s22] =	ssyncadd.s32 $0xFFFFD8F0  }
.LBB2_6:
0x57: {  	v1 =	vld [tilespmem:s29+$0xFFFFFFC0];
	_ =	sdelay $0x2  }
0x58: {  	v2 =	vld [tilespmem:s30+$0xFFFFFFC0];
	_ =	sdelay $0x4  }
0x59: {  	[tilespmem:v1+s20+$0x0] =	vst.idx.add.f32.msk $0xffff, v2  }
0x5a: {  	v1 =	vld [tilespmem:s29+$0xFFFFFFD0];
	_ =	sdelay $0x2  }
0x5b: {  	v2 =	vld [tilespmem:s30+$0xFFFFFFD0];
	_ =	sdelay $0x4  }
0x5c: {  	[tilespmem:v1+s20+$0x0] =	vst.idx.add.f32.msk $0xffff, v2  }
0x5d: {  	v1 =	vld [tilespmem:s29+$0xFFFFFFE0];
	_ =	sdelay $0x2  }
0x5e: {  	v2 =	vld [tilespmem:s30+$0xFFFFFFE0];
	_ =	sdelay $0x4  }
0x5f: {  	[tilespmem:v1+s20+$0x0] =	vst.idx.add.f32.msk $0xffff, v2  }
0x60: {  	v1 =	vld [tilespmem:s29+$0xFFFFFFF0];
	_ =	sdelay $0x2  }
0x61: {  	v2 =	vld [tilespmem:s30+$0xFFFFFFF0];
	_ =	sdelay $0x4  }
0x62: {  	[tilespmem:v1+s20+$0x0] =	vst.idx.add.f32.msk $0xffff, v2  }
0x63: {  	v1 =	vld [tilespmem:s29+$0x0];
	_ =	sdelay $0x2  }
0x64: {  	v2 =	vld [tilespmem:s30+$0x0];
	_ =	sdelay $0x4  }
0x65: {  	[tilespmem:v1+s20+$0x0] =	vst.idx.add.f32.msk $0xffff, v2  }
0x66: {  	v1 =	vld [tilespmem:s29+$0x10];
	_ =	sdelay $0x2  }
0x67: {  	v2 =	vld [tilespmem:s30+$0x10];
	_ =	sdelay $0x4  }
0x68: {  	[tilespmem:v1+s20+$0x0] =	vst.idx.add.f32.msk $0xffff, v2  }
0x69: {  	v1 =	vld [tilespmem:s29+$0x20];
	_ =	sdelay $0x2  }
0x6a: {  	v2 =	vld [tilespmem:s30+$0x20];
	_ =	sdelay $0x4  }
0x6b: {  	[tilespmem:v1+s20+$0x0] =	vst.idx.add.f32.msk $0xffff, v2  }
0x6c: {  	v1 =	vld [tilespmem:s29+$0x30];
	_ =	sdelay $0x1  }
0x6d: {  	s28 =	sadd.s32 $0x8, s28  }
0x6e: {  	p0 =	slt.u32 s28, $0x268;
	v2 =	vld [tilespmem:s30+$0x30]  }
.Ltmp2:
0x6f: {  	_ = 	snop;
	(pc) =	sbr.rel @p0 .LBB2_6-.Ltmp2, $2  }
0x70: {  	_ =	sdelay $0x2  }
0x71: {  	s29 =	sadd.s32 $0x80, s29;
	s30 =	sadd.s32 $0x80, s30;
	[tilespmem:v1+s20+$0x0] =	vst.idx.add.f32.msk $0xffff, v2  }
0x72: {  	v1 =	vld [tilespmem:$0x9D80];
	_ =	sdelay $0x2  }
0x73: {  	v2 =	vld [tilespmem:$0x7600];
	_ =	sdelay $0x4  }
0x74: {  	[tilespmem:v1+s20+$0x0] =	vst.idx.add.f32.msk $0xffff, v2  }
0x75: {  	[tilespmem:s16], [sflag:$0x3] =	stream.linear.gather [hbm4b:s9+s2], $0x2710, $0x38;
	[tilespmem:$0xAE00] =	vst v63  }
0x76: {  	_ = 	snop  }
0x77: {  	[tilespmem:s17], [sflag:$0x4] =	stream.linear.gather [hbm4b:s10+s2], $0x2710, $0x38;
	[tilespmem:$0xAE00] =	vst v63  }
0x78: {  	_ =	swait.ge [sflag:s18], $0x2710  }
0x79: {  	[sflag:s18] =	ssyncset.done $0x0  }
0x7a: {  	[sflag:s18] =	ssyncadd.s32 $0xFFFFD8F0  }
0x7b: {  	_ =	swait.ge [sflag:s19], $0x2710  }
0x7c: {  	s28 =	simm.s32 $0xFFFFFFF8;
	[sflag:s19] =	ssyncset.done $0x0  }
0x7d: {  	s29 =	simm.s32 $0x27C0;
	s30 =	simm.s32 $0x40;
	[sflag:s19] =	ssyncadd.s32 $0xFFFFD8F0  }
.LBB2_8:
0x7e: {  	v1 =	vld [tilespmem:s29+$0xFFFFFFC0];
	_ =	sdelay $0x2  }
0x7f: {  	v2 =	vld [tilespmem:s30+$0xFFFFFFC0];
	_ =	sdelay $0x4  }
0x80: {  	[tilespmem:v1+s20+$0x0] =	vst.idx.add.f32.msk $0xffff, v2  }
0x81: {  	v1 =	vld [tilespmem:s29+$0xFFFFFFD0];
	_ =	sdelay $0x2  }
0x82: {  	v2 =	vld [tilespmem:s30+$0xFFFFFFD0];
	_ =	sdelay $0x4  }
0x83: {  	[tilespmem:v1+s20+$0x0] =	vst.idx.add.f32.msk $0xffff, v2  }
0x84: {  	v1 =	vld [tilespmem:s29+$0xFFFFFFE0];
	_ =	sdelay $0x2  }
0x85: {  	v2 =	vld [tilespmem:s30+$0xFFFFFFE0];
	_ =	sdelay $0x4  }
0x86: {  	[tilespmem:v1+s20+$0x0] =	vst.idx.add.f32.msk $0xffff, v2  }
0x87: {  	v1 =	vld [tilespmem:s29+$0xFFFFFFF0];
	_ =	sdelay $0x2  }
0x88: {  	v2 =	vld [tilespmem:s30+$0xFFFFFFF0];
	_ =	sdelay $0x4  }
0x89: {  	[tilespmem:v1+s20+$0x0] =	vst.idx.add.f32.msk $0xffff, v2  }
0x8a: {  	v1 =	vld [tilespmem:s29+$0x0];
	_ =	sdelay $0x2  }
0x8b: {  	v2 =	vld [tilespmem:s30+$0x0];
	_ =	sdelay $0x4  }
0x8c: {  	[tilespmem:v1+s20+$0x0] =	vst.idx.add.f32.msk $0xffff, v2  }
0x8d: {  	v1 =	vld [tilespmem:s29+$0x10];
	_ =	sdelay $0x2  }
0x8e: {  	v2 =	vld [tilespmem:s30+$0x10];
	_ =	sdelay $0x4  }
0x8f: {  	[tilespmem:v1+s20+$0x0] =	vst.idx.add.f32.msk $0xffff, v2  }
0x90: {  	v1 =	vld [tilespmem:s29+$0x20];
	_ =	sdelay $0x2  }
0x91: {  	v2 =	vld [tilespmem:s30+$0x20];
	_ =	sdelay $0x4  }
0x92: {  	[tilespmem:v1+s20+$0x0] =	vst.idx.add.f32.msk $0xffff, v2  }
0x93: {  	v1 =	vld [tilespmem:s29+$0x30];
	_ =	sdelay $0x1  }
0x94: {  	s28 =	sadd.s32 $0x8, s28  }
0x95: {  	p0 =	slt.u32 s28, $0x268;
	v2 =	vld [tilespmem:s30+$0x30]  }
.Ltmp3:
0x96: {  	_ = 	snop;
	(pc) =	sbr.rel @p0 .LBB2_8-.Ltmp3, $2  }
0x97: {  	_ =	sdelay $0x2  }
0x98: {  	s29 =	sadd.s32 $0x80, s29;
	s30 =	sadd.s32 $0x80, s30;
	[tilespmem:v1+s20+$0x0] =	vst.idx.add.f32.msk $0xffff, v2  }
0x99: {  	v1 =	vld [tilespmem:$0x4E80];
	_ =	sdelay $0x2  }
0x9a: {  	v2 =	vld [tilespmem:$0x2700];
	_ =	sdelay $0x4  }
0x9b: {  	[tilespmem:v1+s20+$0x0] =	vst.idx.add.f32.msk $0xffff, v2  }
0x9c: {  	[tilespmem:s2], [sflag:$0x1] =	stream.linear.gather [hbm4b:s11+s2], $0x2710, $0x38;
	[tilespmem:$0xAE00] =	vst v63  }
0x9d: {  	_ = 	snop  }
0x9e: {  	[tilespmem:s15], [sflag:$0x2] =	stream.linear.gather [hbm4b:s12+s2], $0x2710, $0x38;
	[tilespmem:$0xAE00] =	vst v63  }
0x9f: {  	_ =	swait.ge [sflag:s21], $0x2710  }
0xa0: {  	[sflag:s21] =	ssyncset.done $0x0  }
0xa1: {  	[sflag:s21] =	ssyncadd.s32 $0xFFFFD8F0  }
0xa2: {  	_ =	swait.ge [sflag:s22], $0x2710  }
0xa3: {  	s28 =	simm.s32 $0xFFFFFFF8;
	[sflag:s22] =	ssyncset.done $0x0  }
0xa4: {  	s29 =	simm.s32 $0x76C0;
	s30 =	simm.s32 $0x4F40;
	[sflag:s22] =	ssyncadd.s32 $0xFFFFD8F0  }
.LBB2_10:
0xa5: {  	v1 =	vld [tilespmem:s29+$0xFFFFFFC0];
	_ =	sdelay $0x2  }
0xa6: {  	v2 =	vld [tilespmem:s30+$0xFFFFFFC0];
	_ =	sdelay $0x4  }
0xa7: {  	[tilespmem:v1+s20+$0x0] =	vst.idx.add.f32.msk $0xffff, v2  }
0xa8: {  	v1 =	vld [tilespmem:s29+$0xFFFFFFD0];
	_ =	sdelay $0x2  }
0xa9: {  	v2 =	vld [tilespmem:s30+$0xFFFFFFD0];
	_ =	sdelay $0x4  }
0xaa: {  	[tilespmem:v1+s20+$0x0] =	vst.idx.add.f32.msk $0xffff, v2  }
0xab: {  	v1 =	vld [tilespmem:s29+$0xFFFFFFE0];
	_ =	sdelay $0x2  }
0xac: {  	v2 =	vld [tilespmem:s30+$0xFFFFFFE0];
	_ =	sdelay $0x4  }
0xad: {  	[tilespmem:v1+s20+$0x0] =	vst.idx.add.f32.msk $0xffff, v2  }
0xae: {  	v1 =	vld [tilespmem:s29+$0xFFFFFFF0];
	_ =	sdelay $0x2  }
0xaf: {  	v2 =	vld [tilespmem:s30+$0xFFFFFFF0];
	_ =	sdelay $0x4  }
0xb0: {  	[tilespmem:v1+s20+$0x0] =	vst.idx.add.f32.msk $0xffff, v2  }
0xb1: {  	v1 =	vld [tilespmem:s29+$0x0];
	_ =	sdelay $0x2  }
0xb2: {  	v2 =	vld [tilespmem:s30+$0x0];
	_ =	sdelay $0x4  }
0xb3: {  	[tilespmem:v1+s20+$0x0] =	vst.idx.add.f32.msk $0xffff, v2  }
0xb4: {  	v1 =	vld [tilespmem:s29+$0x10];
	_ =	sdelay $0x2  }
0xb5: {  	v2 =	vld [tilespmem:s30+$0x10];
	_ =	sdelay $0x4  }
0xb6: {  	[tilespmem:v1+s20+$0x0] =	vst.idx.add.f32.msk $0xffff, v2  }
0xb7: {  	v1 =	vld [tilespmem:s29+$0x20];
	_ =	sdelay $0x2  }
0xb8: {  	v2 =	vld [tilespmem:s30+$0x20];
	_ =	sdelay $0x4  }
0xb9: {  	[tilespmem:v1+s20+$0x0] =	vst.idx.add.f32.msk $0xffff, v2  }
0xba: {  	v1 =	vld [tilespmem:s29+$0x30];
	_ =	sdelay $0x1  }
0xbb: {  	s28 =	sadd.s32 $0x8, s28  }
0xbc: {  	p0 =	slt.u32 s28, $0x268;
	v2 =	vld [tilespmem:s30+$0x30]  }
.Ltmp4:
0xbd: {  	_ = 	snop;
	(pc) =	sbr.rel @p0 .LBB2_10-.Ltmp4, $2  }
0xbe: {  	_ =	sdelay $0x2  }
0xbf: {  	s29 =	sadd.s32 $0x80, s29;
	s30 =	sadd.s32 $0x80, s30;
	[tilespmem:v1+s20+$0x0] =	vst.idx.add.f32.msk $0xffff, v2  }
0xc0: {  	v1 =	vld [tilespmem:$0x9D80];
	_ =	sdelay $0x2  }
0xc1: {  	v2 =	vld [tilespmem:$0x7600];
	_ =	sdelay $0x4  }
0xc2: {  	[tilespmem:v1+s20+$0x0] =	vst.idx.add.f32.msk $0xffff, v2  }
0xc3: {  	_ =	swait.ge [sflag:s18], $0x2710  }
0xc4: {  	[sflag:s18] =	ssyncset.done $0x0  }
0xc5: {  	[sflag:s18] =	ssyncadd.s32 $0xFFFFD8F0  }
0xc6: {  	_ =	swait.ge [sflag:s19], $0x2710  }
0xc7: {  	s28 =	simm.s32 $0xFFFFFFF8;
	[sflag:s19] =	ssyncset.done $0x0  }
0xc8: {  	s29 =	simm.s32 $0x27C0;
	s30 =	simm.s32 $0x40;
	[sflag:s19] =	ssyncadd.s32 $0xFFFFD8F0  }
.LBB2_12:
0xc9: {  	v1 =	vld [tilespmem:s29+$0xFFFFFFC0];
	_ =	sdelay $0x2  }
0xca: {  	v2 =	vld [tilespmem:s30+$0xFFFFFFC0];
	_ =	sdelay $0x4  }
0xcb: {  	[tilespmem:v1+s20+$0x0] =	vst.idx.add.f32.msk $0xffff, v2  }
0xcc: {  	v1 =	vld [tilespmem:s29+$0xFFFFFFD0];
	_ =	sdelay $0x2  }
0xcd: {  	v2 =	vld [tilespmem:s30+$0xFFFFFFD0];
	_ =	sdelay $0x4  }
0xce: {  	[tilespmem:v1+s20+$0x0] =	vst.idx.add.f32.msk $0xffff, v2  }
0xcf: {  	v1 =	vld [tilespmem:s29+$0xFFFFFFE0];
	_ =	sdelay $0x2  }
0xd0: {  	v2 =	vld [tilespmem:s30+$0xFFFFFFE0];
	_ =	sdelay $0x4  }
0xd1: {  	[tilespmem:v1+s20+$0x0] =	vst.idx.add.f32.msk $0xffff, v2  }
0xd2: {  	v1 =	vld [tilespmem:s29+$0xFFFFFFF0];
	_ =	sdelay $0x2  }
0xd3: {  	v2 =	vld [tilespmem:s30+$0xFFFFFFF0];
	_ =	sdelay $0x4  }
0xd4: {  	[tilespmem:v1+s20+$0x0] =	vst.idx.add.f32.msk $0xffff, v2  }
0xd5: {  	v1 =	vld [tilespmem:s29+$0x0];
	_ =	sdelay $0x2  }
0xd6: {  	v2 =	vld [tilespmem:s30+$0x0];
	_ =	sdelay $0x4  }
0xd7: {  	[tilespmem:v1+s20+$0x0] =	vst.idx.add.f32.msk $0xffff, v2  }
0xd8: {  	v1 =	vld [tilespmem:s29+$0x10];
	_ =	sdelay $0x2  }
0xd9: {  	v2 =	vld [tilespmem:s30+$0x10];
	_ =	sdelay $0x4  }
0xda: {  	[tilespmem:v1+s20+$0x0] =	vst.idx.add.f32.msk $0xffff, v2  }
0xdb: {  	v1 =	vld [tilespmem:s29+$0x20];
	_ =	sdelay $0x2  }
0xdc: {  	v2 =	vld [tilespmem:s30+$0x20];
	_ =	sdelay $0x4  }
0xdd: {  	[tilespmem:v1+s20+$0x0] =	vst.idx.add.f32.msk $0xffff, v2  }
0xde: {  	v1 =	vld [tilespmem:s29+$0x30];
	_ =	sdelay $0x1  }
0xdf: {  	s28 =	sadd.s32 $0x8, s28  }
0xe0: {  	p0 =	slt.u32 s28, $0x268;
	v2 =	vld [tilespmem:s30+$0x30]  }
.Ltmp5:
0xe1: {  	_ = 	snop;
	(pc) =	sbr.rel @p0 .LBB2_12-.Ltmp5, $2  }
0xe2: {  	_ =	sdelay $0x2  }
0xe3: {  	s29 =	sadd.s32 $0x80, s29;
	s30 =	sadd.s32 $0x80, s30;
	[tilespmem:v1+s20+$0x0] =	vst.idx.add.f32.msk $0xffff, v2  }
0xe4: {  	v1 =	vld [tilespmem:$0x4E80];
	_ =	sdelay $0x2  }
0xe5: {  	v2 =	vld [tilespmem:$0x2700];
	_ =	sdelay $0x2  }
0xe6: {  	s26 =	sadd.s32 $0x1, s26  }
0xe7: {  	p0 =	sne.s32 s26, s14  }
.Ltmp6:
0xe8: {  	[tilespmem:v1+s20+$0x0] =	vst.idx.add.f32.msk $0xffff, v2;
	(pc) =	sbr.rel @p0 .LBB2_1-.Ltmp6, $4  }
0xe9: {  	[hbm4b:s13+s23] =	stream.strided.scatter [tilespmem:s20], [sflag:$0x5], $0x1000, s24, s23, $0x38;
	[tilespmem:$0xAE00] =	vst v63  }
0xea: {  	_ =	swait.ge [sflag:s25], $0x1000  }
0xeb: {  	[sflag:s25] =	ssyncset.done $0x0  }
0xec: {  	[sflag:s25] =	ssyncadd.s32 $0xFFFFF000  }
0xed: {  	_ =	sfence.sel $0x180000  }
0xee: {  	[bflag:$0x0] =	sbarrier.arrive $0xFFFF  }
0xef: {  	p0 =	sne.s32 s1, $0x0;
	_ =	strace $0x90000047  }
0xf0: {  	s0 =	sadd.s32 @!p0 $0x100000, s0;
	[bflag:$0x2] =	sbarrier.arrive $0xFFFF  }
0xf1: {  	[sflag:s0] =	ssyncadd.tile.s32 @!p0 $0x1;
	_ =	shalt  }
.Lfunc_end2:
_tile_overlayer_lowered:
.L_overlay_start_2:
0xf2: {  	(tag) =	ssettag $0x2  }
0xf3: {  	s0 =	rddreg [dreg:$0x0];
	s2 =	stileid.u32  }
0xf4: {  	s1 =	rddreg [dreg:$0x1];
	p0 =	sne.s32 s2, $0x0  }
0xf5: {  	s3 =	rddreg [dreg:$0x2];
	[bflag:$0x3] =	sbarrier.arrive $0xFFFF;
	s2 =	simm.s32 @!p0 $0x1C05  }
0xf6: {  	[timem:s3], [sflag:s2] =	dma.local @!p0 [hbm:s0], s1  }
0xf7: {  	s0 =	simm.s32 @!p0 $0x5  }
0xf8: {  	_ =	swait.ge @!p0 [sflag:s0], s1  }
0xf9: {  	s1 =	ssub.s32 @!p0 $0x0, s1;
	[sflag:s0] =	ssyncset.done @!p0 $0x0  }
0xfa: {  	[sflag:s0] =	ssyncadd.s32 @!p0 s1  }
0xfb: {  	[bflag:$0x3] =	sbarrier.arrive $0xFFFF  }
0xfc: {  	_ =	shalt  }

</sc_bundles>
